<compile_context>
chip_gen: v7x
topology: tpu7x:2x2x1
jax: 0.10.2.dev20260603
libtpu: 0.0.44.dev20260713+nightly
codegen_flags: <defaults>
</compile_context>

<pallas_src>
import functools

import jax
import jax.numpy as jnp
from jax import lax
from jax.experimental import pallas as pl
from jax.experimental.pallas import tpu as pltpu
from jax.experimental.pallas import tpu_sc as plsc


def _sc_agg_kernel(N_pad, D, NC, NS, C, G, NG):
    RPT = N_pad // NS
    mesh = plsc.VectorSubcoreMesh(core_axis_name="c", subcore_axis_name="s")

    @functools.partial(
        pl.kernel,
        mesh=mesh,
        out_type=jax.ShapeDtypeStruct((NC, NS, RPT, D), jnp.float32),
        scratch_types=[
            pltpu.VMEM((2, G, C), jnp.int32),
            pltpu.VMEM((2, G, C), jnp.int32),
            pltpu.VMEM((2, C, D), jnp.float32),
            pltpu.VMEM_SHARED((N_pad, D), jnp.float32),
            pltpu.SemaphoreType.DMA,
        ],
    )
    def sc_kernel(x_hbm, src_hbm, dst_hbm, out_hbm, src_v, dst_v, rows_v,
                  agg_sh, sem):
        c = lax.axis_index("c")
        s = lax.axis_index("s")
        wid = c * NS + s

        def gather_start(p, k, b):
            pltpu.async_copy(x_hbm.at[src_v.at[p, k]], rows_v.at[b], sem)

        def gather_wait(p, k, b):
            pltpu.make_async_copy(x_hbm.at[src_v.at[p, k]], rows_v.at[b],
                                  sem).wait()

        def scatter_add(p, k, b):
            pltpu.sync_copy(rows_v.at[b], agg_sh.at[dst_v.at[p, k]], add=True)

        def zfill(i, _):
            rows_v[0, i // (D // 16), pl.ds((i % (D // 16)) * 16, 16)] = (
                jnp.zeros((16,), jnp.float32))
            return 0
        lax.fori_loop(0, C * (D // 16), zfill, 0)
        r0 = s * RPT
        for k in range(RPT // C):
            pltpu.sync_copy(rows_v.at[0], agg_sh.at[pl.ds(r0 + k * C, C)])
        rem = RPT % C
        if rem:
            pltpu.sync_copy(rows_v.at[0, pl.ds(0, rem)],
                            agg_sh.at[pl.ds(r0 + (RPT // C) * C, rem)])
        plsc.subcore_barrier()

        pltpu.sync_copy(src_hbm.at[wid, 0], src_v.at[0])
        pltpu.sync_copy(dst_hbm.at[wid, 0], dst_v.at[0])
        for g in range(NG):
            p = g % 2

            def chunk(k, _, p=p):
                pltpu.async_copy(x_hbm.at[src_v.at[p, k]], rows_v.at[0],
                                 sem).wait()
                scatter_add(p, k, 0)
                return 0
            lax.fori_loop(0, G, chunk, 0)
            if g + 1 < NG:
                pltpu.sync_copy(src_hbm.at[wid, g + 1], src_v.at[1 - p])
                pltpu.sync_copy(dst_hbm.at[wid, g + 1], dst_v.at[1 - p])
        plsc.subcore_barrier()

        pltpu.sync_copy(agg_sh.at[pl.ds(r0, RPT)], out_hbm.at[c, s])

    return sc_kernel


def _tc_finish_body(x_ref, a0_ref, a1_ref, wl_ref, wn_ref, b_ref, o_ref):
    x = x_ref[...]
    agg = a0_ref[...] + a1_ref[...]
    h = (jnp.dot(x, wl_ref[...], preferred_element_type=jnp.float32)
         + jnp.dot(agg, wn_ref[...], preferred_element_type=jnp.float32)
         + b_ref[...])
    o_ref[...] = jnp.tanh(h + x)


def kernel(x, edge_index, W_loop, W_neigh, b):
    N, D = x.shape
    E = edge_index.shape[1]

    NC, NS = 2, 16
    NW = NC * NS
    per_tile = E // NW
    C = 80
    G = 32
    NG = 4
    PT = C * G * NG
    N_pad = (N + C) // C * C

    pad = PT - per_tile
    src = jnp.concatenate(
        [edge_index[0].reshape(NW, per_tile),
         jnp.zeros((NW, pad), jnp.int32)], axis=1).reshape(NW, NG, G, C)
    pad_dst = N + jnp.tile(jnp.arange(pad, dtype=jnp.int32) % (N_pad - N),
                           (NW, 1))
    dst = jnp.concatenate(
        [edge_index[1].reshape(NW, per_tile),
         pad_dst], axis=1).reshape(NW, NG, G, C)

    agg2 = _sc_agg_kernel(N_pad, D, NC, NS, C, G, NG)(x, src, dst)
    a0 = agg2[0].reshape(N_pad, D)
    a1 = agg2[1].reshape(N_pad, D)

    RB = 2000
    out = pl.pallas_call(
        _tc_finish_body,
        grid=(N // RB,),
        in_specs=[
            pl.BlockSpec((RB, D), lambda i: (i, 0)),
            pl.BlockSpec((RB, D), lambda i: (i, 0)),
            pl.BlockSpec((RB, D), lambda i: (i, 0)),
            pl.BlockSpec((D, D), lambda i: (0, 0)),
            pl.BlockSpec((D, D), lambda i: (0, 0)),
            pl.BlockSpec((1, D), lambda i: (0, 0)),
        ],
        out_specs=pl.BlockSpec((RB, D), lambda i: (i, 0)),
        out_shape=jax.ShapeDtypeStruct((N, D), jnp.float32),
    )(x, a0, a1, W_loop, W_neigh, b.reshape(1, D))
    return out

# --- scband reference (transcript-rebuilt; emitter-appended) ---
"""Pipeline reference for scband-gres-block-66048007077924 (READ-ONLY COPY).

The authoritative reference and input builder live on the scoring server;
editing this copy changes nothing except your own understanding.
"""

import jax, jax.numpy as jnp
import numpy as np


def setup_inputs(seed: int = 0) -> dict:
    key = jax.random.key(seed)
    k1, k2, k3, k4, k5 = jax.random.split(key, 5)
    N, D, E = 10000, 128, 320000
    x = jax.random.normal(k1, (N, D), dtype=jnp.float32)
    edge_index = jax.random.randint(k2, (2, E), 0, N, dtype=jnp.int32)
    W_loop = jax.random.normal(k3, (D, D), dtype=jnp.float32) * 0.05
    W_neigh = jax.random.normal(k4, (D, D), dtype=jnp.float32) * 0.05
    b = jnp.zeros((D,), dtype=jnp.float32)
    return {"x": x, "edge_index": edge_index, "W_loop": W_loop, "W_neigh": W_neigh, "b": b}


def reference(x, edge_index, W_loop, W_neigh, b):
    # GConv: self-loop linear transform + scatter-add neighbor aggregation + linear
    src = edge_index[0]
    dst = edge_index[1]
    msgs = jnp.take(x, src, axis=0)                      # gather source node features
    agg = jax.ops.segment_sum(msgs, dst, num_segments=x.shape[0])  # scatter-add to dst
    h = x @ W_loop + agg @ W_neigh + b                   # conv1(x, edge_index)
    # GResBlock.forward: dropout(p=0) is identity; tanh(conv1(x) + x)
    out = jnp.tanh(h + x)
    return out

if __name__ == "__main__":
    import jax
    _d = setup_inputs()
    print(jax.jit(kernel)(*tuple(_d.values())))

</pallas_src>

<mosaic_0001>
#map = affine_map<(d0, d1) -> (0, 0)>
#map1 = affine_map<(d0, d1) -> (0, 0, 0, 0)>
module attributes {stable_mosaic.version = 14 : i64} {
  func.func @sc_kernel(%arg0: i32, %arg1: i32, %arg2: memref<10000x128xf32, #tpu.memory_space<hbm>>, %arg3: memref<32x4x32x80xi32, #tpu.memory_space<hbm>>, %arg4: memref<32x4x32x80xi32, #tpu.memory_space<hbm>>, %arg5: memref<2x16x630x128xf32, #tpu.memory_space<hbm>>, %arg6: memref<2x32x80xi32, #tpu.memory_space<vmem>>, %arg7: memref<2x32x80xi32, #tpu.memory_space<vmem>>, %arg8: memref<2x80x128xf32, #tpu.memory_space<vmem>>, %arg9: memref<10080x128xf32, #tpu.memory_space<vmem_shared>>, %arg10: memref<!tpu.dma_semaphore, #tpu.memory_space<semaphore_mem>>) attributes {dimension_semantics = [#tpu.dimension_semantics<core_parallel>, #tpu.dimension_semantics<subcore_parallel>], iteration_bounds = array<i64: 2, 16>, scalar_prefetch = 0 : i64, scratch_operands = 5 : i64, tpu.core_type = #tpu.core_type<sc_vector_subcore>, window_params = [{transform_indices = #map}, {transform_indices = #map1}, {transform_indices = #map1}, {transform_indices = #map1}]} {
    %mul3A = arith.constant 16 : i32
    %mul3A_0 = arith.muli %arg0, %mul3A : i32
    %add3A = arith.addi %mul3A_0, %arg1 : i32
    %scan3A = arith.constant 0 : i32
    %scan3A_1 = arith.constant 0 : i32
    %scan3A_2 = arith.constant 640 : i32
    %scan3A_3 = arith.addi %scan3A_1, %scan3A_2 : i32
    %scan3A_4 = arith.constant 1 : i32
    %scan3A_5 = scf.for %scan3A_77 = %scan3A_1 to %scan3A_3 step %scan3A_4 iter_args(%scan3A_78 = %scan3A) -> (i32)  : i32 {
      %broadcast_in_dim3A = arith.constant 0.000000e+00 : f32
      %broadcast_in_dim3A_79 = vector.broadcast %broadcast_in_dim3A : f32 to vector<16xf32>
      %jit3A = arith.constant 8 : i32
      %div3A = arith.divsi %scan3A_77, %jit3A : i32
      %sign3A = arith.constant 0 : i32
      %sign3A_80 = arith.cmpi sgt, %scan3A_77, %sign3A : i32
      %sign3A_81 = arith.extui %sign3A_80 : i1 to i32
      %sign3A_82 = arith.constant 0 : i32
      %sign3A_83 = arith.cmpi slt, %scan3A_77, %sign3A_82 : i32
      %sign3A_84 = arith.extui %sign3A_83 : i1 to i32
      %sign3A_85 = arith.subi %sign3A_81, %sign3A_84 : i32
      %sign3A_86 = arith.constant 0 : i32
      %sign3A_87 = arith.cmpi sgt, %jit3A, %sign3A_86 : i32
      %sign3A_88 = arith.extui %sign3A_87 : i1 to i32
      %sign3A_89 = arith.constant 0 : i32
      %sign3A_90 = arith.cmpi slt, %jit3A, %sign3A_89 : i32
      %sign3A_91 = arith.extui %sign3A_90 : i1 to i32
      %sign3A_92 = arith.subi %sign3A_88, %sign3A_91 : i32
      %ne3A = arith.cmpi ne, %sign3A_85, %sign3A_92 : i32
      %rem3A = arith.remsi %scan3A_77, %jit3A : i32
      %ne3A_93 = arith.constant 0 : i32
      %ne3A_94 = arith.cmpi ne, %rem3A, %ne3A_93 : i32
      %and3A = arith.andi %ne3A, %ne3A_94 : i1
      %sub3A = arith.constant 1 : i32
      %sub3A_95 = arith.subi %div3A, %sub3A : i32
      %select_n3A = arith.select %and3A, %sub3A_95, %div3A : i32
      %jit3A_96 = arith.constant 8 : i32
      %eq3A = arith.constant 0 : i32
      %eq3A_97 = arith.cmpi eq, %jit3A_96, %eq3A : i32
      %jit3A_98 = arith.constant 1 : i32
      %select_n3A_99 = arith.select %eq3A_97, %jit3A_98, %jit3A_96 : i32
      %rem3A_100 = arith.remsi %scan3A_77, %select_n3A_99 : i32
      %ne3A_101 = arith.constant 0 : i32
      %ne3A_102 = arith.cmpi ne, %rem3A_100, %ne3A_101 : i32
      %lt3A = arith.constant 0 : i32
      %lt3A_103 = arith.cmpi slt, %rem3A_100, %lt3A : i32
      %lt3A_104 = arith.constant 0 : i32
      %lt3A_105 = arith.cmpi slt, %select_n3A_99, %lt3A_104 : i32
      %ne3A_106 = arith.xori %lt3A_103, %lt3A_105 : i1
      %and3A_107 = arith.andi %ne3A_106, %ne3A_102 : i1
      %add3A_108 = arith.addi %rem3A_100, %select_n3A_99 : i32
      %select_n3A_109 = arith.select %and3A_107, %add3A_108, %rem3A_100 : i32
      %mul3A_110 = arith.constant 16 : i32
      %mul3A_111 = arith.muli %select_n3A_109, %mul3A_110 : i32
      %swap3A = arith.constant 0 : i32
      %swap3A_112 = arith.index_cast %swap3A : i32 to index
      %swap3A_113 = arith.index_cast %select_n3A : i32 to index
      %swap3A_114 = arith.index_cast %mul3A_111 : i32 to index
      %swap3A_115 = tpu.vector_load %arg8[%swap3A_112, %swap3A_113, %swap3A_114] {strides = array<i32>} : memref<2x80x128xf32, #tpu.memory_space<vmem>>, vector<1x1x16xf32>,
      %swap3A_116 = vector.shape_cast %swap3A_115 : vector<1x1x16xf32> to vector<16xf32>
      %swap3A_117 = vector.shape_cast %broadcast_in_dim3A_79 : vector<16xf32> to vector<1x1x16xf32>
      tpu.vector_store %arg8[%swap3A_112, %swap3A_113, %swap3A_114], %swap3A_117 {strides = array<i32>} : memref<2x80x128xf32, #tpu.memory_space<vmem>>, vector<1x1x16xf32>,
      %scan3A_118 = arith.constant 0 : i32
      scf.yield %scan3A_118 : i32
    }
    %scan3A_6 = arith.constant 640 : i32
    %mul3A_7 = arith.constant 630 : i32
    %mul3A_8 = arith.muli %arg1, %mul3A_7 : i32
    %add3A_9 = arith.constant 0 : i32
    %add3A_10 = arith.addi %mul3A_8, %add3A_9 : i32
    %run_scoped3A = arith.constant 0 : i32
    "tpu.region"() ({
      %run_scoped3A_77 = tpu.sem_alloc : memref<!tpu.dma_semaphore, #tpu.memory_space<semaphore_mem>>
      %dma_start3A = arith.constant 0 : i32
      %dma_start3A_78 = arith.constant 0 : i32
      %dma_start3A_79 = tpu.memref_slice %arg8[%run_scoped3A, %dma_start3A, %dma_start3A_78] : memref<2x80x128xf32, #tpu.memory_space<vmem>> -> memref<1x80x128xf32, #tpu.memory_space<vmem>>
      %dma_start3A_80 = tpu.memref_squeeze %dma_start3A_79 : memref<1x80x128xf32, #tpu.memory_space<vmem>> -> memref<80x128xf32, #tpu.memory_space<vmem>>
      %dma_start3A_81 = arith.constant 0 : i32
      %dma_start3A_82 = tpu.memref_slice %arg9[%add3A_10, %dma_start3A_81] : memref<10080x128xf32, #tpu.memory_space<vmem_shared>> -> memref<80x128xf32, #tpu.memory_space<vmem_shared>>
      %dma_start3A_83 = arith.constant 0 : i32
      %dma_start3A_84 = tpu.memref_slice %arg9[%add3A_10, %dma_start3A_83] : memref<10080x128xf32, #tpu.memory_space<vmem_shared>> -> memref<80x128xf32, #tpu.memory_space<vmem_shared>>
      %dma_start3A_85 = arith.constant 0 : i32
      %dma_start3A_86 = arith.constant 0 : i32
      %dma_start3A_87 = tpu.memref_slice %arg8[%run_scoped3A, %dma_start3A_85, %dma_start3A_86] : memref<2x80x128xf32, #tpu.memory_space<vmem>> -> memref<1x80x128xf32, #tpu.memory_space<vmem>>
      %dma_start3A_88 = tpu.memref_squeeze %dma_start3A_87 : memref<1x80x128xf32, #tpu.memory_space<vmem>> -> memref<80x128xf32, #tpu.memory_space<vmem>>
      tpu.enqueue_dma source(%dma_start3A_88 : memref<80x128xf32, #tpu.memory_space<vmem>>) target(%dma_start3A_84 : memref<80x128xf32, #tpu.memory_space<vmem_shared>>) target_semaphore(%run_scoped3A_77 : memref<!tpu.dma_semaphore, #tpu.memory_space<semaphore_mem>>)
      %dma_wait3A = arith.constant 0 : i32
      %dma_wait3A_89 = arith.constant 0 : i32
      %dma_wait3A_90 = tpu.memref_slice %arg8[%run_scoped3A, %dma_wait3A, %dma_wait3A_89] : memref<2x80x128xf32, #tpu.memory_space<vmem>> -> memref<1x80x128xf32, #tpu.memory_space<vmem>>
      %dma_wait3A_91 = tpu.memref_squeeze %dma_wait3A_90 : memref<1x80x128xf32, #tpu.memory_space<vmem>> -> memref<80x128xf32, #tpu.memory_space<vmem>>
      %dma_wait3A_92 = arith.constant 0 : i32
      %dma_wait3A_93 = tpu.memref_slice %arg9[%add3A_10, %dma_wait3A_92] : memref<10080x128xf32, #tpu.memory_space<vmem_shared>> -> memref<80x128xf32, #tpu.memory_space<vmem_shared>>
      %dma_wait3A_94 = arith.constant 0 : i32
      %dma_wait3A_95 = tpu.memref_slice %arg9[%add3A_10, %dma_wait3A_94] : memref<10080x128xf32, #tpu.memory_space<vmem_shared>> -> memref<80x128xf32, #tpu.memory_space<vmem_shared>>
      %dma_wait3A_96 = arith.constant 0 : i32
      %dma_wait3A_97 = arith.constant 0 : i32
      %dma_wait3A_98 = tpu.memref_slice %arg8[%run_scoped3A, %dma_wait3A_96, %dma_wait3A_97] : memref<2x80x128xf32, #tpu.memory_space<vmem>> -> memref<1x80x128xf32, #tpu.memory_space<vmem>>
      %dma_wait3A_99 = tpu.memref_squeeze %dma_wait3A_98 : memref<1x80x128xf32, #tpu.memory_space<vmem>> -> memref<80x128xf32, #tpu.memory_space<vmem>>
      tpu.wait_dma2 semaphore(%run_scoped3A_77 : memref<!tpu.dma_semaphore, #tpu.memory_space<semaphore_mem>>) src(%dma_wait3A_99 : memref<80x128xf32, #tpu.memory_space<vmem>>) dst(%dma_wait3A_95 : memref<80x128xf32, #tpu.memory_space<vmem_shared>>)
      tpu.yield
    }) : () -> ()
    %add3A_11 = arith.constant 80 : i32
    %add3A_12 = arith.addi %mul3A_8, %add3A_11 : i32
    %run_scoped3A_13 = arith.constant 0 : i32
    "tpu.region"() ({
      %run_scoped3A_77 = tpu.sem_alloc : memref<!tpu.dma_semaphore, #tpu.memory_space<semaphore_mem>>
      %dma_start3A = arith.constant 0 : i32
      %dma_start3A_78 = arith.constant 0 : i32
      %dma_start3A_79 = tpu.memref_slice %arg8[%run_scoped3A_13, %dma_start3A, %dma_start3A_78] : memref<2x80x128xf32, #tpu.memory_space<vmem>> -> memref<1x80x128xf32, #tpu.memory_space<vmem>>
      %dma_start3A_80 = tpu.memref_squeeze %dma_start3A_79 : memref<1x80x128xf32, #tpu.memory_space<vmem>> -> memref<80x128xf32, #tpu.memory_space<vmem>>
      %dma_start3A_81 = arith.constant 0 : i32
      %dma_start3A_82 = tpu.memref_slice %arg9[%add3A_12, %dma_start3A_81] : memref<10080x128xf32, #tpu.memory_space<vmem_shared>> -> memref<80x128xf32, #tpu.memory_space<vmem_shared>>
      %dma_start3A_83 = arith.constant 0 : i32
      %dma_start3A_84 = tpu.memref_slice %arg9[%add3A_12, %dma_start3A_83] : memref<10080x128xf32, #tpu.memory_space<vmem_shared>> -> memref<80x128xf32, #tpu.memory_space<vmem_shared>>
      %dma_start3A_85 = arith.constant 0 : i32
      %dma_start3A_86 = arith.constant 0 : i32
      %dma_start3A_87 = tpu.memref_slice %arg8[%run_scoped3A_13, %dma_start3A_85, %dma_start3A_86] : memref<2x80x128xf32, #tpu.memory_space<vmem>> -> memref<1x80x128xf32, #tpu.memory_space<vmem>>
      %dma_start3A_88 = tpu.memref_squeeze %dma_start3A_87 : memref<1x80x128xf32, #tpu.memory_space<vmem>> -> memref<80x128xf32, #tpu.memory_space<vmem>>
      tpu.enqueue_dma source(%dma_start3A_88 : memref<80x128xf32, #tpu.memory_space<vmem>>) target(%dma_start3A_84 : memref<80x128xf32, #tpu.memory_space<vmem_shared>>) target_semaphore(%run_scoped3A_77 : memref<!tpu.dma_semaphore, #tpu.memory_space<semaphore_mem>>)
      %dma_wait3A = arith.constant 0 : i32
      %dma_wait3A_89 = arith.constant 0 : i32
      %dma_wait3A_90 = tpu.memref_slice %arg8[%run_scoped3A_13, %dma_wait3A, %dma_wait3A_89] : memref<2x80x128xf32, #tpu.memory_space<vmem>> -> memref<1x80x128xf32, #tpu.memory_space<vmem>>
      %dma_wait3A_91 = tpu.memref_squeeze %dma_wait3A_90 : memref<1x80x128xf32, #tpu.memory_space<vmem>> -> memref<80x128xf32, #tpu.memory_space<vmem>>
      %dma_wait3A_92 = arith.constant 0 : i32
      %dma_wait3A_93 = tpu.memref_slice %arg9[%add3A_12, %dma_wait3A_92] : memref<10080x128xf32, #tpu.memory_space<vmem_shared>> -> memref<80x128xf32, #tpu.memory_space<vmem_shared>>
      %dma_wait3A_94 = arith.constant 0 : i32
      %dma_wait3A_95 = tpu.memref_slice %arg9[%add3A_12, %dma_wait3A_94] : memref<10080x128xf32, #tpu.memory_space<vmem_shared>> -> memref<80x128xf32, #tpu.memory_space<vmem_shared>>
      %dma_wait3A_96 = arith.constant 0 : i32
      %dma_wait3A_97 = arith.constant 0 : i32
      %dma_wait3A_98 = tpu.memref_slice %arg8[%run_scoped3A_13, %dma_wait3A_96, %dma_wait3A_97] : memref<2x80x128xf32, #tpu.memory_space<vmem>> -> memref<1x80x128xf32, #tpu.memory_space<vmem>>
      %dma_wait3A_99 = tpu.memref_squeeze %dma_wait3A_98 : memref<1x80x128xf32, #tpu.memory_space<vmem>> -> memref<80x128xf32, #tpu.memory_space<vmem>>
      tpu.wait_dma2 semaphore(%run_scoped3A_77 : memref<!tpu.dma_semaphore, #tpu.memory_space<semaphore_mem>>) src(%dma_wait3A_99 : memref<80x128xf32, #tpu.memory_space<vmem>>) dst(%dma_wait3A_95 : memref<80x128xf32, #tpu.memory_space<vmem_shared>>)
      tpu.yield
    }) : () -> ()
    %add3A_14 = arith.constant 160 : i32
    %add3A_15 = arith.addi %mul3A_8, %add3A_14 : i32
    %run_scoped3A_16 = arith.constant 0 : i32
    "tpu.region"() ({
      %run_scoped3A_77 = tpu.sem_alloc : memref<!tpu.dma_semaphore, #tpu.memory_space<semaphore_mem>>
      %dma_start3A = arith.constant 0 : i32
      %dma_start3A_78 = arith.constant 0 : i32
      %dma_start3A_79 = tpu.memref_slice %arg8[%run_scoped3A_16, %dma_start3A, %dma_start3A_78] : memref<2x80x128xf32, #tpu.memory_space<vmem>> -> memref<1x80x128xf32, #tpu.memory_space<vmem>>
      %dma_start3A_80 = tpu.memref_squeeze %dma_start3A_79 : memref<1x80x128xf32, #tpu.memory_space<vmem>> -> memref<80x128xf32, #tpu.memory_space<vmem>>
      %dma_start3A_81 = arith.constant 0 : i32
      %dma_start3A_82 = tpu.memref_slice %arg9[%add3A_15, %dma_start3A_81] : memref<10080x128xf32, #tpu.memory_space<vmem_shared>> -> memref<80x128xf32, #tpu.memory_space<vmem_shared>>
      %dma_start3A_83 = arith.constant 0 : i32
      %dma_start3A_84 = tpu.memref_slice %arg9[%add3A_15, %dma_start3A_83] : memref<10080x128xf32, #tpu.memory_space<vmem_shared>> -> memref<80x128xf32, #tpu.memory_space<vmem_shared>>
      %dma_start3A_85 = arith.constant 0 : i32
      %dma_start3A_86 = arith.constant 0 : i32
      %dma_start3A_87 = tpu.memref_slice %arg8[%run_scoped3A_16, %dma_start3A_85, %dma_start3A_86] : memref<2x80x128xf32, #tpu.memory_space<vmem>> -> memref<1x80x128xf32, #tpu.memory_space<vmem>>
      %dma_start3A_88 = tpu.memref_squeeze %dma_start3A_87 : memref<1x80x128xf32, #tpu.memory_space<vmem>> -> memref<80x128xf32, #tpu.memory_space<vmem>>
      tpu.enqueue_dma source(%dma_start3A_88 : memref<80x128xf32, #tpu.memory_space<vmem>>) target(%dma_start3A_84 : memref<80x128xf32, #tpu.memory_space<vmem_shared>>) target_semaphore(%run_scoped3A_77 : memref<!tpu.dma_semaphore, #tpu.memory_space<semaphore_mem>>)
      %dma_wait3A = arith.constant 0 : i32
      %dma_wait3A_89 = arith.constant 0 : i32
      %dma_wait3A_90 = tpu.memref_slice %arg8[%run_scoped3A_16, %dma_wait3A, %dma_wait3A_89] : memref<2x80x128xf32, #tpu.memory_space<vmem>> -> memref<1x80x128xf32, #tpu.memory_space<vmem>>
      %dma_wait3A_91 = tpu.memref_squeeze %dma_wait3A_90 : memref<1x80x128xf32, #tpu.memory_space<vmem>> -> memref<80x128xf32, #tpu.memory_space<vmem>>
      %dma_wait3A_92 = arith.constant 0 : i32
      %dma_wait3A_93 = tpu.memref_slice %arg9[%add3A_15, %dma_wait3A_92] : memref<10080x128xf32, #tpu.memory_space<vmem_shared>> -> memref<80x128xf32, #tpu.memory_space<vmem_shared>>
      %dma_wait3A_94 = arith.constant 0 : i32
      %dma_wait3A_95 = tpu.memref_slice %arg9[%add3A_15, %dma_wait3A_94] : memref<10080x128xf32, #tpu.memory_space<vmem_shared>> -> memref<80x128xf32, #tpu.memory_space<vmem_shared>>
      %dma_wait3A_96 = arith.constant 0 : i32
      %dma_wait3A_97 = arith.constant 0 : i32
      %dma_wait3A_98 = tpu.memref_slice %arg8[%run_scoped3A_16, %dma_wait3A_96, %dma_wait3A_97] : memref<2x80x128xf32, #tpu.memory_space<vmem>> -> memref<1x80x128xf32, #tpu.memory_space<vmem>>
      %dma_wait3A_99 = tpu.memref_squeeze %dma_wait3A_98 : memref<1x80x128xf32, #tpu.memory_space<vmem>> -> memref<80x128xf32, #tpu.memory_space<vmem>>
      tpu.wait_dma2 semaphore(%run_scoped3A_77 : memref<!tpu.dma_semaphore, #tpu.memory_space<semaphore_mem>>) src(%dma_wait3A_99 : memref<80x128xf32, #tpu.memory_space<vmem>>) dst(%dma_wait3A_95 : memref<80x128xf32, #tpu.memory_space<vmem_shared>>)
      tpu.yield
    }) : () -> ()
    %add3A_17 = arith.constant 240 : i32
    %add3A_18 = arith.addi %mul3A_8, %add3A_17 : i32
    %run_scoped3A_19 = arith.constant 0 : i32
    "tpu.region"() ({
      %run_scoped3A_77 = tpu.sem_alloc : memref<!tpu.dma_semaphore, #tpu.memory_space<semaphore_mem>>
      %dma_start3A = arith.constant 0 : i32
      %dma_start3A_78 = arith.constant 0 : i32
      %dma_start3A_79 = tpu.memref_slice %arg8[%run_scoped3A_19, %dma_start3A, %dma_start3A_78] : memref<2x80x128xf32, #tpu.memory_space<vmem>> -> memref<1x80x128xf32, #tpu.memory_space<vmem>>
      %dma_start3A_80 = tpu.memref_squeeze %dma_start3A_79 : memref<1x80x128xf32, #tpu.memory_space<vmem>> -> memref<80x128xf32, #tpu.memory_space<vmem>>
      %dma_start3A_81 = arith.constant 0 : i32
      %dma_start3A_82 = tpu.memref_slice %arg9[%add3A_18, %dma_start3A_81] : memref<10080x128xf32, #tpu.memory_space<vmem_shared>> -> memref<80x128xf32, #tpu.memory_space<vmem_shared>>
      %dma_start3A_83 = arith.constant 0 : i32
      %dma_start3A_84 = tpu.memref_slice %arg9[%add3A_18, %dma_start3A_83] : memref<10080x128xf32, #tpu.memory_space<vmem_shared>> -> memref<80x128xf32, #tpu.memory_space<vmem_shared>>
      %dma_start3A_85 = arith.constant 0 : i32
      %dma_start3A_86 = arith.constant 0 : i32
      %dma_start3A_87 = tpu.memref_slice %arg8[%run_scoped3A_19, %dma_start3A_85, %dma_start3A_86] : memref<2x80x128xf32, #tpu.memory_space<vmem>> -> memref<1x80x128xf32, #tpu.memory_space<vmem>>
      %dma_start3A_88 = tpu.memref_squeeze %dma_start3A_87 : memref<1x80x128xf32, #tpu.memory_space<vmem>> -> memref<80x128xf32, #tpu.memory_space<vmem>>
      tpu.enqueue_dma source(%dma_start3A_88 : memref<80x128xf32, #tpu.memory_space<vmem>>) target(%dma_start3A_84 : memref<80x128xf32, #tpu.memory_space<vmem_shared>>) target_semaphore(%run_scoped3A_77 : memref<!tpu.dma_semaphore, #tpu.memory_space<semaphore_mem>>)
      %dma_wait3A = arith.constant 0 : i32
      %dma_wait3A_89 = arith.constant 0 : i32
      %dma_wait3A_90 = tpu.memref_slice %arg8[%run_scoped3A_19, %dma_wait3A, %dma_wait3A_89] : memref<2x80x128xf32, #tpu.memory_space<vmem>> -> memref<1x80x128xf32, #tpu.memory_space<vmem>>
      %dma_wait3A_91 = tpu.memref_squeeze %dma_wait3A_90 : memref<1x80x128xf32, #tpu.memory_space<vmem>> -> memref<80x128xf32, #tpu.memory_space<vmem>>
      %dma_wait3A_92 = arith.constant 0 : i32
      %dma_wait3A_93 = tpu.memref_slice %arg9[%add3A_18, %dma_wait3A_92] : memref<10080x128xf32, #tpu.memory_space<vmem_shared>> -> memref<80x128xf32, #tpu.memory_space<vmem_shared>>
      %dma_wait3A_94 = arith.constant 0 : i32
      %dma_wait3A_95 = tpu.memref_slice %arg9[%add3A_18, %dma_wait3A_94] : memref<10080x128xf32, #tpu.memory_space<vmem_shared>> -> memref<80x128xf32, #tpu.memory_space<vmem_shared>>
      %dma_wait3A_96 = arith.constant 0 : i32
      %dma_wait3A_97 = arith.constant 0 : i32
      %dma_wait3A_98 = tpu.memref_slice %arg8[%run_scoped3A_19, %dma_wait3A_96, %dma_wait3A_97] : memref<2x80x128xf32, #tpu.memory_space<vmem>> -> memref<1x80x128xf32, #tpu.memory_space<vmem>>
      %dma_wait3A_99 = tpu.memref_squeeze %dma_wait3A_98 : memref<1x80x128xf32, #tpu.memory_space<vmem>> -> memref<80x128xf32, #tpu.memory_space<vmem>>
      tpu.wait_dma2 semaphore(%run_scoped3A_77 : memref<!tpu.dma_semaphore, #tpu.memory_space<semaphore_mem>>) src(%dma_wait3A_99 : memref<80x128xf32, #tpu.memory_space<vmem>>) dst(%dma_wait3A_95 : memref<80x128xf32, #tpu.memory_space<vmem_shared>>)
      tpu.yield
    }) : () -> ()
    %add3A_20 = arith.constant 320 : i32
    %add3A_21 = arith.addi %mul3A_8, %add3A_20 : i32
    %run_scoped3A_22 = arith.constant 0 : i32
    "tpu.region"() ({
      %run_scoped3A_77 = tpu.sem_alloc : memref<!tpu.dma_semaphore, #tpu.memory_space<semaphore_mem>>
      %dma_start3A = arith.constant 0 : i32
      %dma_start3A_78 = arith.constant 0 : i32
      %dma_start3A_79 = tpu.memref_slice %arg8[%run_scoped3A_22, %dma_start3A, %dma_start3A_78] : memref<2x80x128xf32, #tpu.memory_space<vmem>> -> memref<1x80x128xf32, #tpu.memory_space<vmem>>
      %dma_start3A_80 = tpu.memref_squeeze %dma_start3A_79 : memref<1x80x128xf32, #tpu.memory_space<vmem>> -> memref<80x128xf32, #tpu.memory_space<vmem>>
      %dma_start3A_81 = arith.constant 0 : i32
      %dma_start3A_82 = tpu.memref_slice %arg9[%add3A_21, %dma_start3A_81] : memref<10080x128xf32, #tpu.memory_space<vmem_shared>> -> memref<80x128xf32, #tpu.memory_space<vmem_shared>>
      %dma_start3A_83 = arith.constant 0 : i32
      %dma_start3A_84 = tpu.memref_slice %arg9[%add3A_21, %dma_start3A_83] : memref<10080x128xf32, #tpu.memory_space<vmem_shared>> -> memref<80x128xf32, #tpu.memory_space<vmem_shared>>
      %dma_start3A_85 = arith.constant 0 : i32
      %dma_start3A_86 = arith.constant 0 : i32
      %dma_start3A_87 = tpu.memref_slice %arg8[%run_scoped3A_22, %dma_start3A_85, %dma_start3A_86] : memref<2x80x128xf32, #tpu.memory_space<vmem>> -> memref<1x80x128xf32, #tpu.memory_space<vmem>>
      %dma_start3A_88 = tpu.memref_squeeze %dma_start3A_87 : memref<1x80x128xf32, #tpu.memory_space<vmem>> -> memref<80x128xf32, #tpu.memory_space<vmem>>
      tpu.enqueue_dma source(%dma_start3A_88 : memref<80x128xf32, #tpu.memory_space<vmem>>) target(%dma_start3A_84 : memref<80x128xf32, #tpu.memory_space<vmem_shared>>) target_semaphore(%run_scoped3A_77 : memref<!tpu.dma_semaphore, #tpu.memory_space<semaphore_mem>>)
      %dma_wait3A = arith.constant 0 : i32
      %dma_wait3A_89 = arith.constant 0 : i32
      %dma_wait3A_90 = tpu.memref_slice %arg8[%run_scoped3A_22, %dma_wait3A, %dma_wait3A_89] : memref<2x80x128xf32, #tpu.memory_space<vmem>> -> memref<1x80x128xf32, #tpu.memory_space<vmem>>
      %dma_wait3A_91 = tpu.memref_squeeze %dma_wait3A_90 : memref<1x80x128xf32, #tpu.memory_space<vmem>> -> memref<80x128xf32, #tpu.memory_space<vmem>>
      %dma_wait3A_92 = arith.constant 0 : i32
      %dma_wait3A_93 = tpu.memref_slice %arg9[%add3A_21, %dma_wait3A_92] : memref<10080x128xf32, #tpu.memory_space<vmem_shared>> -> memref<80x128xf32, #tpu.memory_space<vmem_shared>>
      %dma_wait3A_94 = arith.constant 0 : i32
      %dma_wait3A_95 = tpu.memref_slice %arg9[%add3A_21, %dma_wait3A_94] : memref<10080x128xf32, #tpu.memory_space<vmem_shared>> -> memref<80x128xf32, #tpu.memory_space<vmem_shared>>
      %dma_wait3A_96 = arith.constant 0 : i32
      %dma_wait3A_97 = arith.constant 0 : i32
      %dma_wait3A_98 = tpu.memref_slice %arg8[%run_scoped3A_22, %dma_wait3A_96, %dma_wait3A_97] : memref<2x80x128xf32, #tpu.memory_space<vmem>> -> memref<1x80x128xf32, #tpu.memory_space<vmem>>
      %dma_wait3A_99 = tpu.memref_squeeze %dma_wait3A_98 : memref<1x80x128xf32, #tpu.memory_space<vmem>> -> memref<80x128xf32, #tpu.memory_space<vmem>>
      tpu.wait_dma2 semaphore(%run_scoped3A_77 : memref<!tpu.dma_semaphore, #tpu.memory_space<semaphore_mem>>) src(%dma_wait3A_99 : memref<80x128xf32, #tpu.memory_space<vmem>>) dst(%dma_wait3A_95 : memref<80x128xf32, #tpu.memory_space<vmem_shared>>)
      tpu.yield
    }) : () -> ()
    %add3A_23 = arith.constant 400 : i32
    %add3A_24 = arith.addi %mul3A_8, %add3A_23 : i32
    %run_scoped3A_25 = arith.constant 0 : i32
    "tpu.region"() ({
      %run_scoped3A_77 = tpu.sem_alloc : memref<!tpu.dma_semaphore, #tpu.memory_space<semaphore_mem>>
      %dma_start3A = arith.constant 0 : i32
      %dma_start3A_78 = arith.constant 0 : i32
      %dma_start3A_79 = tpu.memref_slice %arg8[%run_scoped3A_25, %dma_start3A, %dma_start3A_78] : memref<2x80x128xf32, #tpu.memory_space<vmem>> -> memref<1x80x128xf32, #tpu.memory_space<vmem>>
      %dma_start3A_80 = tpu.memref_squeeze %dma_start3A_79 : memref<1x80x128xf32, #tpu.memory_space<vmem>> -> memref<80x128xf32, #tpu.memory_space<vmem>>
      %dma_start3A_81 = arith.constant 0 : i32
      %dma_start3A_82 = tpu.memref_slice %arg9[%add3A_24, %dma_start3A_81] : memref<10080x128xf32, #tpu.memory_space<vmem_shared>> -> memref<80x128xf32, #tpu.memory_space<vmem_shared>>
      %dma_start3A_83 = arith.constant 0 : i32
      %dma_start3A_84 = tpu.memref_slice %arg9[%add3A_24, %dma_start3A_83] : memref<10080x128xf32, #tpu.memory_space<vmem_shared>> -> memref<80x128xf32, #tpu.memory_space<vmem_shared>>
      %dma_start3A_85 = arith.constant 0 : i32
      %dma_start3A_86 = arith.constant 0 : i32
      %dma_start3A_87 = tpu.memref_slice %arg8[%run_scoped3A_25, %dma_start3A_85, %dma_start3A_86] : memref<2x80x128xf32, #tpu.memory_space<vmem>> -> memref<1x80x128xf32, #tpu.memory_space<vmem>>
      %dma_start3A_88 = tpu.memref_squeeze %dma_start3A_87 : memref<1x80x128xf32, #tpu.memory_space<vmem>> -> memref<80x128xf32, #tpu.memory_space<vmem>>
      tpu.enqueue_dma source(%dma_start3A_88 : memref<80x128xf32, #tpu.memory_space<vmem>>) target(%dma_start3A_84 : memref<80x128xf32, #tpu.memory_space<vmem_shared>>) target_semaphore(%run_scoped3A_77 : memref<!tpu.dma_semaphore, #tpu.memory_space<semaphore_mem>>)
      %dma_wait3A = arith.constant 0 : i32
      %dma_wait3A_89 = arith.constant 0 : i32
      %dma_wait3A_90 = tpu.memref_slice %arg8[%run_scoped3A_25, %dma_wait3A, %dma_wait3A_89] : memref<2x80x128xf32, #tpu.memory_space<vmem>> -> memref<1x80x128xf32, #tpu.memory_space<vmem>>
      %dma_wait3A_91 = tpu.memref_squeeze %dma_wait3A_90 : memref<1x80x128xf32, #tpu.memory_space<vmem>> -> memref<80x128xf32, #tpu.memory_space<vmem>>
      %dma_wait3A_92 = arith.constant 0 : i32
      %dma_wait3A_93 = tpu.memref_slice %arg9[%add3A_24, %dma_wait3A_92] : memref<10080x128xf32, #tpu.memory_space<vmem_shared>> -> memref<80x128xf32, #tpu.memory_space<vmem_shared>>
      %dma_wait3A_94 = arith.constant 0 : i32
      %dma_wait3A_95 = tpu.memref_slice %arg9[%add3A_24, %dma_wait3A_94] : memref<10080x128xf32, #tpu.memory_space<vmem_shared>> -> memref<80x128xf32, #tpu.memory_space<vmem_shared>>
      %dma_wait3A_96 = arith.constant 0 : i32
      %dma_wait3A_97 = arith.constant 0 : i32
      %dma_wait3A_98 = tpu.memref_slice %arg8[%run_scoped3A_25, %dma_wait3A_96, %dma_wait3A_97] : memref<2x80x128xf32, #tpu.memory_space<vmem>> -> memref<1x80x128xf32, #tpu.memory_space<vmem>>
      %dma_wait3A_99 = tpu.memref_squeeze %dma_wait3A_98 : memref<1x80x128xf32, #tpu.memory_space<vmem>> -> memref<80x128xf32, #tpu.memory_space<vmem>>
      tpu.wait_dma2 semaphore(%run_scoped3A_77 : memref<!tpu.dma_semaphore, #tpu.memory_space<semaphore_mem>>) src(%dma_wait3A_99 : memref<80x128xf32, #tpu.memory_space<vmem>>) dst(%dma_wait3A_95 : memref<80x128xf32, #tpu.memory_space<vmem_shared>>)
      tpu.yield
    }) : () -> ()
    %add3A_26 = arith.constant 480 : i32
    %add3A_27 = arith.addi %mul3A_8, %add3A_26 : i32
    %run_scoped3A_28 = arith.constant 0 : i32
    "tpu.region"() ({
      %run_scoped3A_77 = tpu.sem_alloc : memref<!tpu.dma_semaphore, #tpu.memory_space<semaphore_mem>>
      %dma_start3A = arith.constant 0 : i32
      %dma_start3A_78 = arith.constant 0 : i32
      %dma_start3A_79 = tpu.memref_slice %arg8[%run_scoped3A_28, %dma_start3A, %dma_start3A_78] : memref<2x80x128xf32, #tpu.memory_space<vmem>> -> memref<1x80x128xf32, #tpu.memory_space<vmem>>
      %dma_start3A_80 = tpu.memref_squeeze %dma_start3A_79 : memref<1x80x128xf32, #tpu.memory_space<vmem>> -> memref<80x128xf32, #tpu.memory_space<vmem>>
      %dma_start3A_81 = arith.constant 0 : i32
      %dma_start3A_82 = tpu.memref_slice %arg9[%add3A_27, %dma_start3A_81] : memref<10080x128xf32, #tpu.memory_space<vmem_shared>> -> memref<80x128xf32, #tpu.memory_space<vmem_shared>>
      %dma_start3A_83 = arith.constant 0 : i32
      %dma_start3A_84 = tpu.memref_slice %arg9[%add3A_27, %dma_start3A_83] : memref<10080x128xf32, #tpu.memory_space<vmem_shared>> -> memref<80x128xf32, #tpu.memory_space<vmem_shared>>
      %dma_start3A_85 = arith.constant 0 : i32
      %dma_start3A_86 = arith.constant 0 : i32
      %dma_start3A_87 = tpu.memref_slice %arg8[%run_scoped3A_28, %dma_start3A_85, %dma_start3A_86] : memref<2x80x128xf32, #tpu.memory_space<vmem>> -> memref<1x80x128xf32, #tpu.memory_space<vmem>>
      %dma_start3A_88 = tpu.memref_squeeze %dma_start3A_87 : memref<1x80x128xf32, #tpu.memory_space<vmem>> -> memref<80x128xf32, #tpu.memory_space<vmem>>
      tpu.enqueue_dma source(%dma_start3A_88 : memref<80x128xf32, #tpu.memory_space<vmem>>) target(%dma_start3A_84 : memref<80x128xf32, #tpu.memory_space<vmem_shared>>) target_semaphore(%run_scoped3A_77 : memref<!tpu.dma_semaphore, #tpu.memory_space<semaphore_mem>>)
      %dma_wait3A = arith.constant 0 : i32
      %dma_wait3A_89 = arith.constant 0 : i32
      %dma_wait3A_90 = tpu.memref_slice %arg8[%run_scoped3A_28, %dma_wait3A, %dma_wait3A_89] : memref<2x80x128xf32, #tpu.memory_space<vmem>> -> memref<1x80x128xf32, #tpu.memory_space<vmem>>
      %dma_wait3A_91 = tpu.memref_squeeze %dma_wait3A_90 : memref<1x80x128xf32, #tpu.memory_space<vmem>> -> memref<80x128xf32, #tpu.memory_space<vmem>>
      %dma_wait3A_92 = arith.constant 0 : i32
      %dma_wait3A_93 = tpu.memref_slice %arg9[%add3A_27, %dma_wait3A_92] : memref<10080x128xf32, #tpu.memory_space<vmem_shared>> -> memref<80x128xf32, #tpu.memory_space<vmem_shared>>
      %dma_wait3A_94 = arith.constant 0 : i32
      %dma_wait3A_95 = tpu.memref_slice %arg9[%add3A_27, %dma_wait3A_94] : memref<10080x128xf32, #tpu.memory_space<vmem_shared>> -> memref<80x128xf32, #tpu.memory_space<vmem_shared>>
      %dma_wait3A_96 = arith.constant 0 : i32
      %dma_wait3A_97 = arith.constant 0 : i32
      %dma_wait3A_98 = tpu.memref_slice %arg8[%run_scoped3A_28, %dma_wait3A_96, %dma_wait3A_97] : memref<2x80x128xf32, #tpu.memory_space<vmem>> -> memref<1x80x128xf32, #tpu.memory_space<vmem>>
      %dma_wait3A_99 = tpu.memref_squeeze %dma_wait3A_98 : memref<1x80x128xf32, #tpu.memory_space<vmem>> -> memref<80x128xf32, #tpu.memory_space<vmem>>
      tpu.wait_dma2 semaphore(%run_scoped3A_77 : memref<!tpu.dma_semaphore, #tpu.memory_space<semaphore_mem>>) src(%dma_wait3A_99 : memref<80x128xf32, #tpu.memory_space<vmem>>) dst(%dma_wait3A_95 : memref<80x128xf32, #tpu.memory_space<vmem_shared>>)
      tpu.yield
    }) : () -> ()
    %add3A_29 = arith.constant 560 : i32
    %add3A_30 = arith.addi %mul3A_8, %add3A_29 : i32
    %run_scoped3A_31 = arith.constant 0 : i32
    "tpu.region"() ({
      %run_scoped3A_77 = tpu.sem_alloc : memref<!tpu.dma_semaphore, #tpu.memory_space<semaphore_mem>>
      %dma_start3A = arith.constant 0 : i32
      %dma_start3A_78 = arith.constant 0 : i32
      %dma_start3A_79 = tpu.memref_slice %arg8[%run_scoped3A_31, %dma_start3A, %dma_start3A_78] : memref<2x80x128xf32, #tpu.memory_space<vmem>> -> memref<1x70x128xf32, #tpu.memory_space<vmem>>
      %dma_start3A_80 = tpu.memref_squeeze %dma_start3A_79 : memref<1x70x128xf32, #tpu.memory_space<vmem>> -> memref<70x128xf32, #tpu.memory_space<vmem>>
      %dma_start3A_81 = arith.constant 0 : i32
      %dma_start3A_82 = tpu.memref_slice %arg9[%add3A_30, %dma_start3A_81] : memref<10080x128xf32, #tpu.memory_space<vmem_shared>> -> memref<70x128xf32, #tpu.memory_space<vmem_shared>>
      %dma_start3A_83 = arith.constant 0 : i32
      %dma_start3A_84 = tpu.memref_slice %arg9[%add3A_30, %dma_start3A_83] : memref<10080x128xf32, #tpu.memory_space<vmem_shared>> -> memref<70x128xf32, #tpu.memory_space<vmem_shared>>
      %dma_start3A_85 = arith.constant 0 : i32
      %dma_start3A_86 = arith.constant 0 : i32
      %dma_start3A_87 = tpu.memref_slice %arg8[%run_scoped3A_31, %dma_start3A_85, %dma_start3A_86] : memref<2x80x128xf32, #tpu.memory_space<vmem>> -> memref<1x70x128xf32, #tpu.memory_space<vmem>>
      %dma_start3A_88 = tpu.memref_squeeze %dma_start3A_87 : memref<1x70x128xf32, #tpu.memory_space<vmem>> -> memref<70x128xf32, #tpu.memory_space<vmem>>
      tpu.enqueue_dma source(%dma_start3A_88 : memref<70x128xf32, #tpu.memory_space<vmem>>) target(%dma_start3A_84 : memref<70x128xf32, #tpu.memory_space<vmem_shared>>) target_semaphore(%run_scoped3A_77 : memref<!tpu.dma_semaphore, #tpu.memory_space<semaphore_mem>>)
      %dma_wait3A = arith.constant 0 : i32
      %dma_wait3A_89 = arith.constant 0 : i32
      %dma_wait3A_90 = tpu.memref_slice %arg8[%run_scoped3A_31, %dma_wait3A, %dma_wait3A_89] : memref<2x80x128xf32, #tpu.memory_space<vmem>> -> memref<1x70x128xf32, #tpu.memory_space<vmem>>
      %dma_wait3A_91 = tpu.memref_squeeze %dma_wait3A_90 : memref<1x70x128xf32, #tpu.memory_space<vmem>> -> memref<70x128xf32, #tpu.memory_space<vmem>>
      %dma_wait3A_92 = arith.constant 0 : i32
      %dma_wait3A_93 = tpu.memref_slice %arg9[%add3A_30, %dma_wait3A_92] : memref<10080x128xf32, #tpu.memory_space<vmem_shared>> -> memref<70x128xf32, #tpu.memory_space<vmem_shared>>
      %dma_wait3A_94 = arith.constant 0 : i32
      %dma_wait3A_95 = tpu.memref_slice %arg9[%add3A_30, %dma_wait3A_94] : memref<10080x128xf32, #tpu.memory_space<vmem_shared>> -> memref<70x128xf32, #tpu.memory_space<vmem_shared>>
      %dma_wait3A_96 = arith.constant 0 : i32
      %dma_wait3A_97 = arith.constant 0 : i32
      %dma_wait3A_98 = tpu.memref_slice %arg8[%run_scoped3A_31, %dma_wait3A_96, %dma_wait3A_97] : memref<2x80x128xf32, #tpu.memory_space<vmem>> -> memref<1x70x128xf32, #tpu.memory_space<vmem>>
      %dma_wait3A_99 = tpu.memref_squeeze %dma_wait3A_98 : memref<1x70x128xf32, #tpu.memory_space<vmem>> -> memref<70x128xf32, #tpu.memory_space<vmem>>
      tpu.wait_dma2 semaphore(%run_scoped3A_77 : memref<!tpu.dma_semaphore, #tpu.memory_space<semaphore_mem>>) src(%dma_wait3A_99 : memref<70x128xf32, #tpu.memory_space<vmem>>) dst(%dma_wait3A_95 : memref<70x128xf32, #tpu.memory_space<vmem_shared>>)
      tpu.yield
    }) : () -> ()
    %barrier3A = arith.constant 0 : index
    tpu.barrier barrier_id(%barrier3A)
    %run_scoped3A_32 = arith.constant 0 : i32
    %run_scoped3A_33 = arith.constant 0 : i32
    "tpu.region"() ({
      %run_scoped3A_77 = tpu.sem_alloc : memref<!tpu.dma_semaphore, #tpu.memory_space<semaphore_mem>>
      %dma_start3A = arith.constant 0 : i32
      %dma_start3A_78 = arith.constant 0 : i32
      %dma_start3A_79 = tpu.memref_slice %arg6[%run_scoped3A_33, %dma_start3A, %dma_start3A_78] : memref<2x32x80xi32, #tpu.memory_space<vmem>> -> memref<1x32x80xi32, #tpu.memory_space<vmem>>
      %dma_start3A_80 = tpu.memref_squeeze %dma_start3A_79 : memref<1x32x80xi32, #tpu.memory_space<vmem>> -> memref<32x80xi32, #tpu.memory_space<vmem>>
      %dma_start3A_81 = arith.constant 0 : i32
      %dma_start3A_82 = arith.constant 0 : i32
      %dma_start3A_83 = tpu.memref_slice %arg3[%add3A, %run_scoped3A_32, %dma_start3A_81, %dma_start3A_82] : memref<32x4x32x80xi32, #tpu.memory_space<hbm>> -> memref<1x1x32x80xi32, #tpu.memory_space<hbm>>
      %dma_start3A_84 = tpu.memref_squeeze %dma_start3A_83 : memref<1x1x32x80xi32, #tpu.memory_space<hbm>> -> memref<32x80xi32, #tpu.memory_space<hbm>>
      %dma_start3A_85 = arith.constant 0 : i32
      %dma_start3A_86 = arith.constant 0 : i32
      %dma_start3A_87 = tpu.memref_slice %arg6[%run_scoped3A_33, %dma_start3A_85, %dma_start3A_86] : memref<2x32x80xi32, #tpu.memory_space<vmem>> -> memref<1x32x80xi32, #tpu.memory_space<vmem>>
      %dma_start3A_88 = tpu.memref_squeeze %dma_start3A_87 : memref<1x32x80xi32, #tpu.memory_space<vmem>> -> memref<32x80xi32, #tpu.memory_space<vmem>>
      %dma_start3A_89 = arith.constant 0 : i32
      %dma_start3A_90 = arith.constant 0 : i32
      %dma_start3A_91 = tpu.memref_slice %arg3[%add3A, %run_scoped3A_32, %dma_start3A_89, %dma_start3A_90] : memref<32x4x32x80xi32, #tpu.memory_space<hbm>> -> memref<1x1x32x80xi32, #tpu.memory_space<hbm>>
      %dma_start3A_92 = tpu.memref_squeeze %dma_start3A_91 : memref<1x1x32x80xi32, #tpu.memory_space<hbm>> -> memref<32x80xi32, #tpu.memory_space<hbm>>
      tpu.enqueue_dma source(%dma_start3A_92 : memref<32x80xi32, #tpu.memory_space<hbm>>) target(%dma_start3A_88 : memref<32x80xi32, #tpu.memory_space<vmem>>) target_semaphore(%run_scoped3A_77 : memref<!tpu.dma_semaphore, #tpu.memory_space<semaphore_mem>>)
      %dma_wait3A = arith.constant 0 : i32
      %dma_wait3A_93 = arith.constant 0 : i32
      %dma_wait3A_94 = tpu.memref_slice %arg6[%run_scoped3A_33, %dma_wait3A, %dma_wait3A_93] : memref<2x32x80xi32, #tpu.memory_space<vmem>> -> memref<1x32x80xi32, #tpu.memory_space<vmem>>
      %dma_wait3A_95 = tpu.memref_squeeze %dma_wait3A_94 : memref<1x32x80xi32, #tpu.memory_space<vmem>> -> memref<32x80xi32, #tpu.memory_space<vmem>>
      %dma_wait3A_96 = arith.constant 0 : i32
      %dma_wait3A_97 = arith.constant 0 : i32
      %dma_wait3A_98 = tpu.memref_slice %arg3[%add3A, %run_scoped3A_32, %dma_wait3A_96, %dma_wait3A_97] : memref<32x4x32x80xi32, #tpu.memory_space<hbm>> -> memref<1x1x32x80xi32, #tpu.memory_space<hbm>>
      %dma_wait3A_99 = tpu.memref_squeeze %dma_wait3A_98 : memref<1x1x32x80xi32, #tpu.memory_space<hbm>> -> memref<32x80xi32, #tpu.memory_space<hbm>>
      %dma_wait3A_100 = arith.constant 0 : i32
      %dma_wait3A_101 = arith.constant 0 : i32
      %dma_wait3A_102 = tpu.memref_slice %arg6[%run_scoped3A_33, %dma_wait3A_100, %dma_wait3A_101] : memref<2x32x80xi32, #tpu.memory_space<vmem>> -> memref<1x32x80xi32, #tpu.memory_space<vmem>>
      %dma_wait3A_103 = tpu.memref_squeeze %dma_wait3A_102 : memref<1x32x80xi32, #tpu.memory_space<vmem>> -> memref<32x80xi32, #tpu.memory_space<vmem>>
      %dma_wait3A_104 = arith.constant 0 : i32
      %dma_wait3A_105 = arith.constant 0 : i32
      %dma_wait3A_106 = tpu.memref_slice %arg3[%add3A, %run_scoped3A_32, %dma_wait3A_104, %dma_wait3A_105] : memref<32x4x32x80xi32, #tpu.memory_space<hbm>> -> memref<1x1x32x80xi32, #tpu.memory_space<hbm>>
      %dma_wait3A_107 = tpu.memref_squeeze %dma_wait3A_106 : memref<1x1x32x80xi32, #tpu.memory_space<hbm>> -> memref<32x80xi32, #tpu.memory_space<hbm>>
      tpu.wait_dma2 semaphore(%run_scoped3A_77 : memref<!tpu.dma_semaphore, #tpu.memory_space<semaphore_mem>>) src(%dma_wait3A_107 : memref<32x80xi32, #tpu.memory_space<hbm>>) dst(%dma_wait3A_103 : memref<32x80xi32, #tpu.memory_space<vmem>>)
      tpu.yield
    }) : () -> ()
    %run_scoped3A_34 = arith.constant 0 : i32
    %run_scoped3A_35 = arith.constant 0 : i32
    "tpu.region"() ({
      %run_scoped3A_77 = tpu.sem_alloc : memref<!tpu.dma_semaphore, #tpu.memory_space<semaphore_mem>>
      %dma_start3A = arith.constant 0 : i32
      %dma_start3A_78 = arith.constant 0 : i32
      %dma_start3A_79 = tpu.memref_slice %arg7[%run_scoped3A_35, %dma_start3A, %dma_start3A_78] : memref<2x32x80xi32, #tpu.memory_space<vmem>> -> memref<1x32x80xi32, #tpu.memory_space<vmem>>
      %dma_start3A_80 = tpu.memref_squeeze %dma_start3A_79 : memref<1x32x80xi32, #tpu.memory_space<vmem>> -> memref<32x80xi32, #tpu.memory_space<vmem>>
      %dma_start3A_81 = arith.constant 0 : i32
      %dma_start3A_82 = arith.constant 0 : i32
      %dma_start3A_83 = tpu.memref_slice %arg4[%add3A, %run_scoped3A_34, %dma_start3A_81, %dma_start3A_82] : memref<32x4x32x80xi32, #tpu.memory_space<hbm>> -> memref<1x1x32x80xi32, #tpu.memory_space<hbm>>
      %dma_start3A_84 = tpu.memref_squeeze %dma_start3A_83 : memref<1x1x32x80xi32, #tpu.memory_space<hbm>> -> memref<32x80xi32, #tpu.memory_space<hbm>>
      %dma_start3A_85 = arith.constant 0 : i32
      %dma_start3A_86 = arith.constant 0 : i32
      %dma_start3A_87 = tpu.memref_slice %arg7[%run_scoped3A_35, %dma_start3A_85, %dma_start3A_86] : memref<2x32x80xi32, #tpu.memory_space<vmem>> -> memref<1x32x80xi32, #tpu.memory_space<vmem>>
      %dma_start3A_88 = tpu.memref_squeeze %dma_start3A_87 : memref<1x32x80xi32, #tpu.memory_space<vmem>> -> memref<32x80xi32, #tpu.memory_space<vmem>>
      %dma_start3A_89 = arith.constant 0 : i32
      %dma_start3A_90 = arith.constant 0 : i32
      %dma_start3A_91 = tpu.memref_slice %arg4[%add3A, %run_scoped3A_34, %dma_start3A_89, %dma_start3A_90] : memref<32x4x32x80xi32, #tpu.memory_space<hbm>> -> memref<1x1x32x80xi32, #tpu.memory_space<hbm>>
      %dma_start3A_92 = tpu.memref_squeeze %dma_start3A_91 : memref<1x1x32x80xi32, #tpu.memory_space<hbm>> -> memref<32x80xi32, #tpu.memory_space<hbm>>
      tpu.enqueue_dma source(%dma_start3A_92 : memref<32x80xi32, #tpu.memory_space<hbm>>) target(%dma_start3A_88 : memref<32x80xi32, #tpu.memory_space<vmem>>) target_semaphore(%run_scoped3A_77 : memref<!tpu.dma_semaphore, #tpu.memory_space<semaphore_mem>>)
      %dma_wait3A = arith.constant 0 : i32
      %dma_wait3A_93 = arith.constant 0 : i32
      %dma_wait3A_94 = tpu.memref_slice %arg7[%run_scoped3A_35, %dma_wait3A, %dma_wait3A_93] : memref<2x32x80xi32, #tpu.memory_space<vmem>> -> memref<1x32x80xi32, #tpu.memory_space<vmem>>
      %dma_wait3A_95 = tpu.memref_squeeze %dma_wait3A_94 : memref<1x32x80xi32, #tpu.memory_space<vmem>> -> memref<32x80xi32, #tpu.memory_space<vmem>>
      %dma_wait3A_96 = arith.constant 0 : i32
      %dma_wait3A_97 = arith.constant 0 : i32
      %dma_wait3A_98 = tpu.memref_slice %arg4[%add3A, %run_scoped3A_34, %dma_wait3A_96, %dma_wait3A_97] : memref<32x4x32x80xi32, #tpu.memory_space<hbm>> -> memref<1x1x32x80xi32, #tpu.memory_space<hbm>>
      %dma_wait3A_99 = tpu.memref_squeeze %dma_wait3A_98 : memref<1x1x32x80xi32, #tpu.memory_space<hbm>> -> memref<32x80xi32, #tpu.memory_space<hbm>>
      %dma_wait3A_100 = arith.constant 0 : i32
      %dma_wait3A_101 = arith.constant 0 : i32
      %dma_wait3A_102 = tpu.memref_slice %arg7[%run_scoped3A_35, %dma_wait3A_100, %dma_wait3A_101] : memref<2x32x80xi32, #tpu.memory_space<vmem>> -> memref<1x32x80xi32, #tpu.memory_space<vmem>>
      %dma_wait3A_103 = tpu.memref_squeeze %dma_wait3A_102 : memref<1x32x80xi32, #tpu.memory_space<vmem>> -> memref<32x80xi32, #tpu.memory_space<vmem>>
      %dma_wait3A_104 = arith.constant 0 : i32
      %dma_wait3A_105 = arith.constant 0 : i32
      %dma_wait3A_106 = tpu.memref_slice %arg4[%add3A, %run_scoped3A_34, %dma_wait3A_104, %dma_wait3A_105] : memref<32x4x32x80xi32, #tpu.memory_space<hbm>> -> memref<1x1x32x80xi32, #tpu.memory_space<hbm>>
      %dma_wait3A_107 = tpu.memref_squeeze %dma_wait3A_106 : memref<1x1x32x80xi32, #tpu.memory_space<hbm>> -> memref<32x80xi32, #tpu.memory_space<hbm>>
      tpu.wait_dma2 semaphore(%run_scoped3A_77 : memref<!tpu.dma_semaphore, #tpu.memory_space<semaphore_mem>>) src(%dma_wait3A_107 : memref<32x80xi32, #tpu.memory_space<hbm>>) dst(%dma_wait3A_103 : memref<32x80xi32, #tpu.memory_space<vmem>>)
      tpu.yield
    }) : () -> ()
    %scan3A_36 = arith.constant 0 : i32
    %scan3A_37 = arith.constant 0 : i32
    %scan3A_38 = arith.constant 32 : i32
    %scan3A_39 = arith.addi %scan3A_37, %scan3A_38 : i32
    %scan3A_40 = arith.constant 1 : i32
    %scan3A_41 = scf.for %scan3A_77 = %scan3A_37 to %scan3A_39 step %scan3A_40 iter_args(%scan3A_78 = %scan3A_36) -> (i32)  : i32 {
      %dma_start3A = arith.constant 0 : i32
      %dma_start3A_79 = arith.constant 0 : i32
      %dma_start3A_80 = arith.constant 0 : i32
      %dma_start3A_81 = arith.constant 0 : i32
      %dma_start3A_82 = tpu.memref_slice %arg8[%dma_start3A_79, %dma_start3A_80, %dma_start3A_81] : memref<2x80x128xf32, #tpu.memory_space<vmem>> -> memref<1x80x128xf32, #tpu.memory_space<vmem>>
      %dma_start3A_83 = tpu.memref_squeeze %dma_start3A_82 : memref<1x80x128xf32, #tpu.memory_space<vmem>> -> memref<80x128xf32, #tpu.memory_space<vmem>>
      %dma_start3A_84 = arith.constant 0 : i32
      %dma_start3A_85 = tpu.memref_slice %arg6[%dma_start3A, %scan3A_77, %dma_start3A_84] : memref<2x32x80xi32, #tpu.memory_space<vmem>> -> memref<1x1x80xi32, #tpu.memory_space<vmem>>
      %dma_start3A_86 = tpu.memref_squeeze %dma_start3A_85 : memref<1x1x80xi32, #tpu.memory_space<vmem>> -> memref<80xi32, #tpu.memory_space<vmem>>
      %dma_start3A_87 = arith.constant 0 : i32
      %dma_start3A_88 = arith.constant 0 : i32
      %dma_start3A_89 = tpu.memref_slice %arg2[%dma_start3A_87, %dma_start3A_88] : memref<10000x128xf32, #tpu.memory_space<hbm>> -> memref<10000x128xf32, #tpu.memory_space<hbm>>
      tpu.enqueue_indirect_dma source(%dma_start3A_89 : memref<10000x128xf32, #tpu.memory_space<hbm>>) target(%dma_start3A_83 : memref<80x128xf32, #tpu.memory_space<vmem>>) offsets(%dma_start3A_86 : memref<80xi32, #tpu.memory_space<vmem>>) semaphore(%arg10 : memref<!tpu.dma_semaphore, #tpu.memory_space<semaphore_mem>>)
      %dma_wait3A = arith.constant 0 : i32
      %dma_wait3A_90 = arith.constant 0 : i32
      %dma_wait3A_91 = arith.constant 0 : i32
      %dma_wait3A_92 = arith.constant 0 : i32
      %dma_wait3A_93 = tpu.memref_slice %arg8[%dma_wait3A_90, %dma_wait3A_91, %dma_wait3A_92] : memref<2x80x128xf32, #tpu.memory_space<vmem>> -> memref<1x80x128xf32, #tpu.memory_space<vmem>>
      %dma_wait3A_94 = tpu.memref_squeeze %dma_wait3A_93 : memref<1x80x128xf32, #tpu.memory_space<vmem>> -> memref<80x128xf32, #tpu.memory_space<vmem>>
      %dma_wait3A_95 = arith.constant 0 : i32
      %dma_wait3A_96 = tpu.memref_slice %arg6[%dma_wait3A, %scan3A_77, %dma_wait3A_95] : memref<2x32x80xi32, #tpu.memory_space<vmem>> -> memref<1x1x80xi32, #tpu.memory_space<vmem>>
      %dma_wait3A_97 = tpu.memref_squeeze %dma_wait3A_96 : memref<1x1x80xi32, #tpu.memory_space<vmem>> -> memref<80xi32, #tpu.memory_space<vmem>>
      %dma_wait3A_98 = arith.constant 0 : i32
      %dma_wait3A_99 = arith.constant 0 : i32
      %dma_wait3A_100 = tpu.memref_slice %arg2[%dma_wait3A_98, %dma_wait3A_99] : memref<10000x128xf32, #tpu.memory_space<hbm>> -> memref<10000x128xf32, #tpu.memory_space<hbm>>
      tpu.wait_indirect_dma semaphore(%arg10 : memref<!tpu.dma_semaphore, #tpu.memory_space<semaphore_mem>>) src(%dma_wait3A_100 : memref<10000x128xf32, #tpu.memory_space<hbm>>) dst(%dma_wait3A_94 : memref<80x128xf32, #tpu.memory_space<vmem>>)
      %run_scoped3A_101 = arith.constant 0 : i32
      %run_scoped3A_102 = arith.constant 0 : i32
      "tpu.region"() ({
        %run_scoped3A_104 = tpu.sem_alloc : memref<!tpu.dma_semaphore, #tpu.memory_space<semaphore_mem>>
        %dma_start3A_105 = arith.constant 0 : i32
        %dma_start3A_106 = arith.constant 0 : i32
        %dma_start3A_107 = tpu.memref_slice %arg8[%run_scoped3A_101, %dma_start3A_105, %dma_start3A_106] : memref<2x80x128xf32, #tpu.memory_space<vmem>> -> memref<1x80x128xf32, #tpu.memory_space<vmem>>
        %dma_start3A_108 = tpu.memref_squeeze %dma_start3A_107 : memref<1x80x128xf32, #tpu.memory_space<vmem>> -> memref<80x128xf32, #tpu.memory_space<vmem>>
        %dma_start3A_109 = arith.constant 0 : i32
        %dma_start3A_110 = tpu.memref_slice %arg7[%run_scoped3A_102, %scan3A_77, %dma_start3A_109] : memref<2x32x80xi32, #tpu.memory_space<vmem>> -> memref<1x1x80xi32, #tpu.memory_space<vmem>>
        %dma_start3A_111 = tpu.memref_squeeze %dma_start3A_110 : memref<1x1x80xi32, #tpu.memory_space<vmem>> -> memref<80xi32, #tpu.memory_space<vmem>>
        %dma_start3A_112 = arith.constant 0 : i32
        %dma_start3A_113 = arith.constant 0 : i32
        %dma_start3A_114 = tpu.memref_slice %arg9[%dma_start3A_112, %dma_start3A_113] : memref<10080x128xf32, #tpu.memory_space<vmem_shared>> -> memref<10080x128xf32, #tpu.memory_space<vmem_shared>>
        tpu.enqueue_indirect_dma source(%dma_start3A_108 : memref<80x128xf32, #tpu.memory_space<vmem>>) target(%dma_start3A_114 : memref<10080x128xf32, #tpu.memory_space<vmem_shared>>) offsets(%dma_start3A_111 : memref<80xi32, #tpu.memory_space<vmem>>) semaphore(%run_scoped3A_104 : memref<!tpu.dma_semaphore, #tpu.memory_space<semaphore_mem>>) {add = true}
        %dma_wait3A_115 = arith.constant 0 : i32
        %dma_wait3A_116 = arith.constant 0 : i32
        %dma_wait3A_117 = tpu.memref_slice %arg8[%run_scoped3A_101, %dma_wait3A_115, %dma_wait3A_116] : memref<2x80x128xf32, #tpu.memory_space<vmem>> -> memref<1x80x128xf32, #tpu.memory_space<vmem>>
        %dma_wait3A_118 = tpu.memref_squeeze %dma_wait3A_117 : memref<1x80x128xf32, #tpu.memory_space<vmem>> -> memref<80x128xf32, #tpu.memory_space<vmem>>
        %dma_wait3A_119 = arith.constant 0 : i32
        %dma_wait3A_120 = tpu.memref_slice %arg7[%run_scoped3A_102, %scan3A_77, %dma_wait3A_119] : memref<2x32x80xi32, #tpu.memory_space<vmem>> -> memref<1x1x80xi32, #tpu.memory_space<vmem>>
        %dma_wait3A_121 = tpu.memref_squeeze %dma_wait3A_120 : memref<1x1x80xi32, #tpu.memory_space<vmem>> -> memref<80xi32, #tpu.memory_space<vmem>>
        %dma_wait3A_122 = arith.constant 0 : i32
        %dma_wait3A_123 = arith.constant 0 : i32
        %dma_wait3A_124 = tpu.memref_slice %arg9[%dma_wait3A_122, %dma_wait3A_123] : memref<10080x128xf32, #tpu.memory_space<vmem_shared>> -> memref<10080x128xf32, #tpu.memory_space<vmem_shared>>
        tpu.wait_indirect_dma semaphore(%run_scoped3A_104 : memref<!tpu.dma_semaphore, #tpu.memory_space<semaphore_mem>>) src(%dma_wait3A_118 : memref<80x128xf32, #tpu.memory_space<vmem>>) dst(%dma_wait3A_124 : memref<10080x128xf32, #tpu.memory_space<vmem_shared>>)
        tpu.yield
      }) : () -> ()
      %scan3A_103 = arith.constant 0 : i32
      scf.yield %scan3A_103 : i32
    }
    %scan3A_42 = arith.constant 32 : i32
    %run_scoped3A_43 = arith.constant 1 : i32
    %run_scoped3A_44 = arith.constant 1 : i32
    "tpu.region"() ({
      %run_scoped3A_77 = tpu.sem_alloc : memref<!tpu.dma_semaphore, #tpu.memory_space<semaphore_mem>>
      %dma_start3A = arith.constant 0 : i32
      %dma_start3A_78 = arith.constant 0 : i32
      %dma_start3A_79 = tpu.memref_slice %arg6[%run_scoped3A_44, %dma_start3A, %dma_start3A_78] : memref<2x32x80xi32, #tpu.memory_space<vmem>> -> memref<1x32x80xi32, #tpu.memory_space<vmem>>
      %dma_start3A_80 = tpu.memref_squeeze %dma_start3A_79 : memref<1x32x80xi32, #tpu.memory_space<vmem>> -> memref<32x80xi32, #tpu.memory_space<vmem>>
      %dma_start3A_81 = arith.constant 0 : i32
      %dma_start3A_82 = arith.constant 0 : i32
      %dma_start3A_83 = tpu.memref_slice %arg3[%add3A, %run_scoped3A_43, %dma_start3A_81, %dma_start3A_82] : memref<32x4x32x80xi32, #tpu.memory_space<hbm>> -> memref<1x1x32x80xi32, #tpu.memory_space<hbm>>
      %dma_start3A_84 = tpu.memref_squeeze %dma_start3A_83 : memref<1x1x32x80xi32, #tpu.memory_space<hbm>> -> memref<32x80xi32, #tpu.memory_space<hbm>>
      %dma_start3A_85 = arith.constant 0 : i32
      %dma_start3A_86 = arith.constant 0 : i32
      %dma_start3A_87 = tpu.memref_slice %arg6[%run_scoped3A_44, %dma_start3A_85, %dma_start3A_86] : memref<2x32x80xi32, #tpu.memory_space<vmem>> -> memref<1x32x80xi32, #tpu.memory_space<vmem>>
      %dma_start3A_88 = tpu.memref_squeeze %dma_start3A_87 : memref<1x32x80xi32, #tpu.memory_space<vmem>> -> memref<32x80xi32, #tpu.memory_space<vmem>>
      %dma_start3A_89 = arith.constant 0 : i32
      %dma_start3A_90 = arith.constant 0 : i32
      %dma_start3A_91 = tpu.memref_slice %arg3[%add3A, %run_scoped3A_43, %dma_start3A_89, %dma_start3A_90] : memref<32x4x32x80xi32, #tpu.memory_space<hbm>> -> memref<1x1x32x80xi32, #tpu.memory_space<hbm>>
      %dma_start3A_92 = tpu.memref_squeeze %dma_start3A_91 : memref<1x1x32x80xi32, #tpu.memory_space<hbm>> -> memref<32x80xi32, #tpu.memory_space<hbm>>
      tpu.enqueue_dma source(%dma_start3A_92 : memref<32x80xi32, #tpu.memory_space<hbm>>) target(%dma_start3A_88 : memref<32x80xi32, #tpu.memory_space<vmem>>) target_semaphore(%run_scoped3A_77 : memref<!tpu.dma_semaphore, #tpu.memory_space<semaphore_mem>>)
      %dma_wait3A = arith.constant 0 : i32
      %dma_wait3A_93 = arith.constant 0 : i32
      %dma_wait3A_94 = tpu.memref_slice %arg6[%run_scoped3A_44, %dma_wait3A, %dma_wait3A_93] : memref<2x32x80xi32, #tpu.memory_space<vmem>> -> memref<1x32x80xi32, #tpu.memory_space<vmem>>
      %dma_wait3A_95 = tpu.memref_squeeze %dma_wait3A_94 : memref<1x32x80xi32, #tpu.memory_space<vmem>> -> memref<32x80xi32, #tpu.memory_space<vmem>>
      %dma_wait3A_96 = arith.constant 0 : i32
      %dma_wait3A_97 = arith.constant 0 : i32
      %dma_wait3A_98 = tpu.memref_slice %arg3[%add3A, %run_scoped3A_43, %dma_wait3A_96, %dma_wait3A_97] : memref<32x4x32x80xi32, #tpu.memory_space<hbm>> -> memref<1x1x32x80xi32, #tpu.memory_space<hbm>>
      %dma_wait3A_99 = tpu.memref_squeeze %dma_wait3A_98 : memref<1x1x32x80xi32, #tpu.memory_space<hbm>> -> memref<32x80xi32, #tpu.memory_space<hbm>>
      %dma_wait3A_100 = arith.constant 0 : i32
      %dma_wait3A_101 = arith.constant 0 : i32
      %dma_wait3A_102 = tpu.memref_slice %arg6[%run_scoped3A_44, %dma_wait3A_100, %dma_wait3A_101] : memref<2x32x80xi32, #tpu.memory_space<vmem>> -> memref<1x32x80xi32, #tpu.memory_space<vmem>>
      %dma_wait3A_103 = tpu.memref_squeeze %dma_wait3A_102 : memref<1x32x80xi32, #tpu.memory_space<vmem>> -> memref<32x80xi32, #tpu.memory_space<vmem>>
      %dma_wait3A_104 = arith.constant 0 : i32
      %dma_wait3A_105 = arith.constant 0 : i32
      %dma_wait3A_106 = tpu.memref_slice %arg3[%add3A, %run_scoped3A_43, %dma_wait3A_104, %dma_wait3A_105] : memref<32x4x32x80xi32, #tpu.memory_space<hbm>> -> memref<1x1x32x80xi32, #tpu.memory_space<hbm>>
      %dma_wait3A_107 = tpu.memref_squeeze %dma_wait3A_106 : memref<1x1x32x80xi32, #tpu.memory_space<hbm>> -> memref<32x80xi32, #tpu.memory_space<hbm>>
      tpu.wait_dma2 semaphore(%run_scoped3A_77 : memref<!tpu.dma_semaphore, #tpu.memory_space<semaphore_mem>>) src(%dma_wait3A_107 : memref<32x80xi32, #tpu.memory_space<hbm>>) dst(%dma_wait3A_103 : memref<32x80xi32, #tpu.memory_space<vmem>>)
      tpu.yield
    }) : () -> ()
    %run_scoped3A_45 = arith.constant 1 : i32
    %run_scoped3A_46 = arith.constant 1 : i32
    "tpu.region"() ({
      %run_scoped3A_77 = tpu.sem_alloc : memref<!tpu.dma_semaphore, #tpu.memory_space<semaphore_mem>>
      %dma_start3A = arith.constant 0 : i32
      %dma_start3A_78 = arith.constant 0 : i32
      %dma_start3A_79 = tpu.memref_slice %arg7[%run_scoped3A_46, %dma_start3A, %dma_start3A_78] : memref<2x32x80xi32, #tpu.memory_space<vmem>> -> memref<1x32x80xi32, #tpu.memory_space<vmem>>
      %dma_start3A_80 = tpu.memref_squeeze %dma_start3A_79 : memref<1x32x80xi32, #tpu.memory_space<vmem>> -> memref<32x80xi32, #tpu.memory_space<vmem>>
      %dma_start3A_81 = arith.constant 0 : i32
      %dma_start3A_82 = arith.constant 0 : i32
      %dma_start3A_83 = tpu.memref_slice %arg4[%add3A, %run_scoped3A_45, %dma_start3A_81, %dma_start3A_82] : memref<32x4x32x80xi32, #tpu.memory_space<hbm>> -> memref<1x1x32x80xi32, #tpu.memory_space<hbm>>
      %dma_start3A_84 = tpu.memref_squeeze %dma_start3A_83 : memref<1x1x32x80xi32, #tpu.memory_space<hbm>> -> memref<32x80xi32, #tpu.memory_space<hbm>>
      %dma_start3A_85 = arith.constant 0 : i32
      %dma_start3A_86 = arith.constant 0 : i32
      %dma_start3A_87 = tpu.memref_slice %arg7[%run_scoped3A_46, %dma_start3A_85, %dma_start3A_86] : memref<2x32x80xi32, #tpu.memory_space<vmem>> -> memref<1x32x80xi32, #tpu.memory_space<vmem>>
      %dma_start3A_88 = tpu.memref_squeeze %dma_start3A_87 : memref<1x32x80xi32, #tpu.memory_space<vmem>> -> memref<32x80xi32, #tpu.memory_space<vmem>>
      %dma_start3A_89 = arith.constant 0 : i32
      %dma_start3A_90 = arith.constant 0 : i32
      %dma_start3A_91 = tpu.memref_slice %arg4[%add3A, %run_scoped3A_45, %dma_start3A_89, %dma_start3A_90] : memref<32x4x32x80xi32, #tpu.memory_space<hbm>> -> memref<1x1x32x80xi32, #tpu.memory_space<hbm>>
      %dma_start3A_92 = tpu.memref_squeeze %dma_start3A_91 : memref<1x1x32x80xi32, #tpu.memory_space<hbm>> -> memref<32x80xi32, #tpu.memory_space<hbm>>
      tpu.enqueue_dma source(%dma_start3A_92 : memref<32x80xi32, #tpu.memory_space<hbm>>) target(%dma_start3A_88 : memref<32x80xi32, #tpu.memory_space<vmem>>) target_semaphore(%run_scoped3A_77 : memref<!tpu.dma_semaphore, #tpu.memory_space<semaphore_mem>>)
      %dma_wait3A = arith.constant 0 : i32
      %dma_wait3A_93 = arith.constant 0 : i32
      %dma_wait3A_94 = tpu.memref_slice %arg7[%run_scoped3A_46, %dma_wait3A, %dma_wait3A_93] : memref<2x32x80xi32, #tpu.memory_space<vmem>> -> memref<1x32x80xi32, #tpu.memory_space<vmem>>
      %dma_wait3A_95 = tpu.memref_squeeze %dma_wait3A_94 : memref<1x32x80xi32, #tpu.memory_space<vmem>> -> memref<32x80xi32, #tpu.memory_space<vmem>>
      %dma_wait3A_96 = arith.constant 0 : i32
      %dma_wait3A_97 = arith.constant 0 : i32
      %dma_wait3A_98 = tpu.memref_slice %arg4[%add3A, %run_scoped3A_45, %dma_wait3A_96, %dma_wait3A_97] : memref<32x4x32x80xi32, #tpu.memory_space<hbm>> -> memref<1x1x32x80xi32, #tpu.memory_space<hbm>>
      %dma_wait3A_99 = tpu.memref_squeeze %dma_wait3A_98 : memref<1x1x32x80xi32, #tpu.memory_space<hbm>> -> memref<32x80xi32, #tpu.memory_space<hbm>>
      %dma_wait3A_100 = arith.constant 0 : i32
      %dma_wait3A_101 = arith.constant 0 : i32
      %dma_wait3A_102 = tpu.memref_slice %arg7[%run_scoped3A_46, %dma_wait3A_100, %dma_wait3A_101] : memref<2x32x80xi32, #tpu.memory_space<vmem>> -> memref<1x32x80xi32, #tpu.memory_space<vmem>>
      %dma_wait3A_103 = tpu.memref_squeeze %dma_wait3A_102 : memref<1x32x80xi32, #tpu.memory_space<vmem>> -> memref<32x80xi32, #tpu.memory_space<vmem>>
      %dma_wait3A_104 = arith.constant 0 : i32
      %dma_wait3A_105 = arith.constant 0 : i32
      %dma_wait3A_106 = tpu.memref_slice %arg4[%add3A, %run_scoped3A_45, %dma_wait3A_104, %dma_wait3A_105] : memref<32x4x32x80xi32, #tpu.memory_space<hbm>> -> memref<1x1x32x80xi32, #tpu.memory_space<hbm>>
      %dma_wait3A_107 = tpu.memref_squeeze %dma_wait3A_106 : memref<1x1x32x80xi32, #tpu.memory_space<hbm>> -> memref<32x80xi32, #tpu.memory_space<hbm>>
      tpu.wait_dma2 semaphore(%run_scoped3A_77 : memref<!tpu.dma_semaphore, #tpu.memory_space<semaphore_mem>>) src(%dma_wait3A_107 : memref<32x80xi32, #tpu.memory_space<hbm>>) dst(%dma_wait3A_103 : memref<32x80xi32, #tpu.memory_space<vmem>>)
      tpu.yield
    }) : () -> ()
    %scan3A_47 = arith.constant 0 : i32
    %scan3A_48 = arith.constant 0 : i32
    %scan3A_49 = arith.constant 32 : i32
    %scan3A_50 = arith.addi %scan3A_48, %scan3A_49 : i32
    %scan3A_51 = arith.constant 1 : i32
    %scan3A_52 = scf.for %scan3A_77 = %scan3A_48 to %scan3A_50 step %scan3A_51 iter_args(%scan3A_78 = %scan3A_47) -> (i32)  : i32 {
      %dma_start3A = arith.constant 1 : i32
      %dma_start3A_79 = arith.constant 0 : i32
      %dma_start3A_80 = arith.constant 0 : i32
      %dma_start3A_81 = arith.constant 0 : i32
      %dma_start3A_82 = tpu.memref_slice %arg8[%dma_start3A_79, %dma_start3A_80, %dma_start3A_81] : memref<2x80x128xf32, #tpu.memory_space<vmem>> -> memref<1x80x128xf32, #tpu.memory_space<vmem>>
      %dma_start3A_83 = tpu.memref_squeeze %dma_start3A_82 : memref<1x80x128xf32, #tpu.memory_space<vmem>> -> memref<80x128xf32, #tpu.memory_space<vmem>>
      %dma_start3A_84 = arith.constant 0 : i32
      %dma_start3A_85 = tpu.memref_slice %arg6[%dma_start3A, %scan3A_77, %dma_start3A_84] : memref<2x32x80xi32, #tpu.memory_space<vmem>> -> memref<1x1x80xi32, #tpu.memory_space<vmem>>
      %dma_start3A_86 = tpu.memref_squeeze %dma_start3A_85 : memref<1x1x80xi32, #tpu.memory_space<vmem>> -> memref<80xi32, #tpu.memory_space<vmem>>
      %dma_start3A_87 = arith.constant 0 : i32
      %dma_start3A_88 = arith.constant 0 : i32
      %dma_start3A_89 = tpu.memref_slice %arg2[%dma_start3A_87, %dma_start3A_88] : memref<10000x128xf32, #tpu.memory_space<hbm>> -> memref<10000x128xf32, #tpu.memory_space<hbm>>
      tpu.enqueue_indirect_dma source(%dma_start3A_89 : memref<10000x128xf32, #tpu.memory_space<hbm>>) target(%dma_start3A_83 : memref<80x128xf32, #tpu.memory_space<vmem>>) offsets(%dma_start3A_86 : memref<80xi32, #tpu.memory_space<vmem>>) semaphore(%arg10 : memref<!tpu.dma_semaphore, #tpu.memory_space<semaphore_mem>>)
      %dma_wait3A = arith.constant 1 : i32
      %dma_wait3A_90 = arith.constant 0 : i32
      %dma_wait3A_91 = arith.constant 0 : i32
      %dma_wait3A_92 = arith.constant 0 : i32
      %dma_wait3A_93 = tpu.memref_slice %arg8[%dma_wait3A_90, %dma_wait3A_91, %dma_wait3A_92] : memref<2x80x128xf32, #tpu.memory_space<vmem>> -> memref<1x80x128xf32, #tpu.memory_space<vmem>>
      %dma_wait3A_94 = tpu.memref_squeeze %dma_wait3A_93 : memref<1x80x128xf32, #tpu.memory_space<vmem>> -> memref<80x128xf32, #tpu.memory_space<vmem>>
      %dma_wait3A_95 = arith.constant 0 : i32
      %dma_wait3A_96 = tpu.memref_slice %arg6[%dma_wait3A, %scan3A_77, %dma_wait3A_95] : memref<2x32x80xi32, #tpu.memory_space<vmem>> -> memref<1x1x80xi32, #tpu.memory_space<vmem>>
      %dma_wait3A_97 = tpu.memref_squeeze %dma_wait3A_96 : memref<1x1x80xi32, #tpu.memory_space<vmem>> -> memref<80xi32, #tpu.memory_space<vmem>>
      %dma_wait3A_98 = arith.constant 0 : i32
      %dma_wait3A_99 = arith.constant 0 : i32
      %dma_wait3A_100 = tpu.memref_slice %arg2[%dma_wait3A_98, %dma_wait3A_99] : memref<10000x128xf32, #tpu.memory_space<hbm>> -> memref<10000x128xf32, #tpu.memory_space<hbm>>
      tpu.wait_indirect_dma semaphore(%arg10 : memref<!tpu.dma_semaphore, #tpu.memory_space<semaphore_mem>>) src(%dma_wait3A_100 : memref<10000x128xf32, #tpu.memory_space<hbm>>) dst(%dma_wait3A_94 : memref<80x128xf32, #tpu.memory_space<vmem>>)
      %run_scoped3A_101 = arith.constant 0 : i32
      %run_scoped3A_102 = arith.constant 1 : i32
      "tpu.region"() ({
        %run_scoped3A_104 = tpu.sem_alloc : memref<!tpu.dma_semaphore, #tpu.memory_space<semaphore_mem>>
        %dma_start3A_105 = arith.constant 0 : i32
        %dma_start3A_106 = arith.constant 0 : i32
        %dma_start3A_107 = tpu.memref_slice %arg8[%run_scoped3A_101, %dma_start3A_105, %dma_start3A_106] : memref<2x80x128xf32, #tpu.memory_space<vmem>> -> memref<1x80x128xf32, #tpu.memory_space<vmem>>
        %dma_start3A_108 = tpu.memref_squeeze %dma_start3A_107 : memref<1x80x128xf32, #tpu.memory_space<vmem>> -> memref<80x128xf32, #tpu.memory_space<vmem>>
        %dma_start3A_109 = arith.constant 0 : i32
        %dma_start3A_110 = tpu.memref_slice %arg7[%run_scoped3A_102, %scan3A_77, %dma_start3A_109] : memref<2x32x80xi32, #tpu.memory_space<vmem>> -> memref<1x1x80xi32, #tpu.memory_space<vmem>>
        %dma_start3A_111 = tpu.memref_squeeze %dma_start3A_110 : memref<1x1x80xi32, #tpu.memory_space<vmem>> -> memref<80xi32, #tpu.memory_space<vmem>>
        %dma_start3A_112 = arith.constant 0 : i32
        %dma_start3A_113 = arith.constant 0 : i32
        %dma_start3A_114 = tpu.memref_slice %arg9[%dma_start3A_112, %dma_start3A_113] : memref<10080x128xf32, #tpu.memory_space<vmem_shared>> -> memref<10080x128xf32, #tpu.memory_space<vmem_shared>>
        tpu.enqueue_indirect_dma source(%dma_start3A_108 : memref<80x128xf32, #tpu.memory_space<vmem>>) target(%dma_start3A_114 : memref<10080x128xf32, #tpu.memory_space<vmem_shared>>) offsets(%dma_start3A_111 : memref<80xi32, #tpu.memory_space<vmem>>) semaphore(%run_scoped3A_104 : memref<!tpu.dma_semaphore, #tpu.memory_space<semaphore_mem>>) {add = true}
        %dma_wait3A_115 = arith.constant 0 : i32
        %dma_wait3A_116 = arith.constant 0 : i32
        %dma_wait3A_117 = tpu.memref_slice %arg8[%run_scoped3A_101, %dma_wait3A_115, %dma_wait3A_116] : memref<2x80x128xf32, #tpu.memory_space<vmem>> -> memref<1x80x128xf32, #tpu.memory_space<vmem>>
        %dma_wait3A_118 = tpu.memref_squeeze %dma_wait3A_117 : memref<1x80x128xf32, #tpu.memory_space<vmem>> -> memref<80x128xf32, #tpu.memory_space<vmem>>
        %dma_wait3A_119 = arith.constant 0 : i32
        %dma_wait3A_120 = tpu.memref_slice %arg7[%run_scoped3A_102, %scan3A_77, %dma_wait3A_119] : memref<2x32x80xi32, #tpu.memory_space<vmem>> -> memref<1x1x80xi32, #tpu.memory_space<vmem>>
        %dma_wait3A_121 = tpu.memref_squeeze %dma_wait3A_120 : memref<1x1x80xi32, #tpu.memory_space<vmem>> -> memref<80xi32, #tpu.memory_space<vmem>>
        %dma_wait3A_122 = arith.constant 0 : i32
        %dma_wait3A_123 = arith.constant 0 : i32
        %dma_wait3A_124 = tpu.memref_slice %arg9[%dma_wait3A_122, %dma_wait3A_123] : memref<10080x128xf32, #tpu.memory_space<vmem_shared>> -> memref<10080x128xf32, #tpu.memory_space<vmem_shared>>
        tpu.wait_indirect_dma semaphore(%run_scoped3A_104 : memref<!tpu.dma_semaphore, #tpu.memory_space<semaphore_mem>>) src(%dma_wait3A_118 : memref<80x128xf32, #tpu.memory_space<vmem>>) dst(%dma_wait3A_124 : memref<10080x128xf32, #tpu.memory_space<vmem_shared>>)
        tpu.yield
      }) : () -> ()
      %scan3A_103 = arith.constant 0 : i32
      scf.yield %scan3A_103 : i32
    }
    %scan3A_53 = arith.constant 32 : i32
    %run_scoped3A_54 = arith.constant 2 : i32
    %run_scoped3A_55 = arith.constant 0 : i32
    "tpu.region"() ({
      %run_scoped3A_77 = tpu.sem_alloc : memref<!tpu.dma_semaphore, #tpu.memory_space<semaphore_mem>>
      %dma_start3A = arith.constant 0 : i32
      %dma_start3A_78 = arith.constant 0 : i32
      %dma_start3A_79 = tpu.memref_slice %arg6[%run_scoped3A_55, %dma_start3A, %dma_start3A_78] : memref<2x32x80xi32, #tpu.memory_space<vmem>> -> memref<1x32x80xi32, #tpu.memory_space<vmem>>
      %dma_start3A_80 = tpu.memref_squeeze %dma_start3A_79 : memref<1x32x80xi32, #tpu.memory_space<vmem>> -> memref<32x80xi32, #tpu.memory_space<vmem>>
      %dma_start3A_81 = arith.constant 0 : i32
      %dma_start3A_82 = arith.constant 0 : i32
      %dma_start3A_83 = tpu.memref_slice %arg3[%add3A, %run_scoped3A_54, %dma_start3A_81, %dma_start3A_82] : memref<32x4x32x80xi32, #tpu.memory_space<hbm>> -> memref<1x1x32x80xi32, #tpu.memory_space<hbm>>
      %dma_start3A_84 = tpu.memref_squeeze %dma_start3A_83 : memref<1x1x32x80xi32, #tpu.memory_space<hbm>> -> memref<32x80xi32, #tpu.memory_space<hbm>>
      %dma_start3A_85 = arith.constant 0 : i32
      %dma_start3A_86 = arith.constant 0 : i32
      %dma_start3A_87 = tpu.memref_slice %arg6[%run_scoped3A_55, %dma_start3A_85, %dma_start3A_86] : memref<2x32x80xi32, #tpu.memory_space<vmem>> -> memref<1x32x80xi32, #tpu.memory_space<vmem>>
      %dma_start3A_88 = tpu.memref_squeeze %dma_start3A_87 : memref<1x32x80xi32, #tpu.memory_space<vmem>> -> memref<32x80xi32, #tpu.memory_space<vmem>>
      %dma_start3A_89 = arith.constant 0 : i32
      %dma_start3A_90 = arith.constant 0 : i32
      %dma_start3A_91 = tpu.memref_slice %arg3[%add3A, %run_scoped3A_54, %dma_start3A_89, %dma_start3A_90] : memref<32x4x32x80xi32, #tpu.memory_space<hbm>> -> memref<1x1x32x80xi32, #tpu.memory_space<hbm>>
      %dma_start3A_92 = tpu.memref_squeeze %dma_start3A_91 : memref<1x1x32x80xi32, #tpu.memory_space<hbm>> -> memref<32x80xi32, #tpu.memory_space<hbm>>
      tpu.enqueue_dma source(%dma_start3A_92 : memref<32x80xi32, #tpu.memory_space<hbm>>) target(%dma_start3A_88 : memref<32x80xi32, #tpu.memory_space<vmem>>) target_semaphore(%run_scoped3A_77 : memref<!tpu.dma_semaphore, #tpu.memory_space<semaphore_mem>>)
      %dma_wait3A = arith.constant 0 : i32
      %dma_wait3A_93 = arith.constant 0 : i32
      %dma_wait3A_94 = tpu.memref_slice %arg6[%run_scoped3A_55, %dma_wait3A, %dma_wait3A_93] : memref<2x32x80xi32, #tpu.memory_space<vmem>> -> memref<1x32x80xi32, #tpu.memory_space<vmem>>
      %dma_wait3A_95 = tpu.memref_squeeze %dma_wait3A_94 : memref<1x32x80xi32, #tpu.memory_space<vmem>> -> memref<32x80xi32, #tpu.memory_space<vmem>>
      %dma_wait3A_96 = arith.constant 0 : i32
      %dma_wait3A_97 = arith.constant 0 : i32
      %dma_wait3A_98 = tpu.memref_slice %arg3[%add3A, %run_scoped3A_54, %dma_wait3A_96, %dma_wait3A_97] : memref<32x4x32x80xi32, #tpu.memory_space<hbm>> -> memref<1x1x32x80xi32, #tpu.memory_space<hbm>>
      %dma_wait3A_99 = tpu.memref_squeeze %dma_wait3A_98 : memref<1x1x32x80xi32, #tpu.memory_space<hbm>> -> memref<32x80xi32, #tpu.memory_space<hbm>>
      %dma_wait3A_100 = arith.constant 0 : i32
      %dma_wait3A_101 = arith.constant 0 : i32
      %dma_wait3A_102 = tpu.memref_slice %arg6[%run_scoped3A_55, %dma_wait3A_100, %dma_wait3A_101] : memref<2x32x80xi32, #tpu.memory_space<vmem>> -> memref<1x32x80xi32, #tpu.memory_space<vmem>>
      %dma_wait3A_103 = tpu.memref_squeeze %dma_wait3A_102 : memref<1x32x80xi32, #tpu.memory_space<vmem>> -> memref<32x80xi32, #tpu.memory_space<vmem>>
      %dma_wait3A_104 = arith.constant 0 : i32
      %dma_wait3A_105 = arith.constant 0 : i32
      %dma_wait3A_106 = tpu.memref_slice %arg3[%add3A, %run_scoped3A_54, %dma_wait3A_104, %dma_wait3A_105] : memref<32x4x32x80xi32, #tpu.memory_space<hbm>> -> memref<1x1x32x80xi32, #tpu.memory_space<hbm>>
      %dma_wait3A_107 = tpu.memref_squeeze %dma_wait3A_106 : memref<1x1x32x80xi32, #tpu.memory_space<hbm>> -> memref<32x80xi32, #tpu.memory_space<hbm>>
      tpu.wait_dma2 semaphore(%run_scoped3A_77 : memref<!tpu.dma_semaphore, #tpu.memory_space<semaphore_mem>>) src(%dma_wait3A_107 : memref<32x80xi32, #tpu.memory_space<hbm>>) dst(%dma_wait3A_103 : memref<32x80xi32, #tpu.memory_space<vmem>>)
      tpu.yield
    }) : () -> ()
    %run_scoped3A_56 = arith.constant 2 : i32
    %run_scoped3A_57 = arith.constant 0 : i32
    "tpu.region"() ({
      %run_scoped3A_77 = tpu.sem_alloc : memref<!tpu.dma_semaphore, #tpu.memory_space<semaphore_mem>>
      %dma_start3A = arith.constant 0 : i32
      %dma_start3A_78 = arith.constant 0 : i32
      %dma_start3A_79 = tpu.memref_slice %arg7[%run_scoped3A_57, %dma_start3A, %dma_start3A_78] : memref<2x32x80xi32, #tpu.memory_space<vmem>> -> memref<1x32x80xi32, #tpu.memory_space<vmem>>
      %dma_start3A_80 = tpu.memref_squeeze %dma_start3A_79 : memref<1x32x80xi32, #tpu.memory_space<vmem>> -> memref<32x80xi32, #tpu.memory_space<vmem>>
      %dma_start3A_81 = arith.constant 0 : i32
      %dma_start3A_82 = arith.constant 0 : i32
      %dma_start3A_83 = tpu.memref_slice %arg4[%add3A, %run_scoped3A_56, %dma_start3A_81, %dma_start3A_82] : memref<32x4x32x80xi32, #tpu.memory_space<hbm>> -> memref<1x1x32x80xi32, #tpu.memory_space<hbm>>
      %dma_start3A_84 = tpu.memref_squeeze %dma_start3A_83 : memref<1x1x32x80xi32, #tpu.memory_space<hbm>> -> memref<32x80xi32, #tpu.memory_space<hbm>>
      %dma_start3A_85 = arith.constant 0 : i32
      %dma_start3A_86 = arith.constant 0 : i32
      %dma_start3A_87 = tpu.memref_slice %arg7[%run_scoped3A_57, %dma_start3A_85, %dma_start3A_86] : memref<2x32x80xi32, #tpu.memory_space<vmem>> -> memref<1x32x80xi32, #tpu.memory_space<vmem>>
      %dma_start3A_88 = tpu.memref_squeeze %dma_start3A_87 : memref<1x32x80xi32, #tpu.memory_space<vmem>> -> memref<32x80xi32, #tpu.memory_space<vmem>>
      %dma_start3A_89 = arith.constant 0 : i32
      %dma_start3A_90 = arith.constant 0 : i32
      %dma_start3A_91 = tpu.memref_slice %arg4[%add3A, %run_scoped3A_56, %dma_start3A_89, %dma_start3A_90] : memref<32x4x32x80xi32, #tpu.memory_space<hbm>> -> memref<1x1x32x80xi32, #tpu.memory_space<hbm>>
      %dma_start3A_92 = tpu.memref_squeeze %dma_start3A_91 : memref<1x1x32x80xi32, #tpu.memory_space<hbm>> -> memref<32x80xi32, #tpu.memory_space<hbm>>
      tpu.enqueue_dma source(%dma_start3A_92 : memref<32x80xi32, #tpu.memory_space<hbm>>) target(%dma_start3A_88 : memref<32x80xi32, #tpu.memory_space<vmem>>) target_semaphore(%run_scoped3A_77 : memref<!tpu.dma_semaphore, #tpu.memory_space<semaphore_mem>>)
      %dma_wait3A = arith.constant 0 : i32
      %dma_wait3A_93 = arith.constant 0 : i32
      %dma_wait3A_94 = tpu.memref_slice %arg7[%run_scoped3A_57, %dma_wait3A, %dma_wait3A_93] : memref<2x32x80xi32, #tpu.memory_space<vmem>> -> memref<1x32x80xi32, #tpu.memory_space<vmem>>
      %dma_wait3A_95 = tpu.memref_squeeze %dma_wait3A_94 : memref<1x32x80xi32, #tpu.memory_space<vmem>> -> memref<32x80xi32, #tpu.memory_space<vmem>>
      %dma_wait3A_96 = arith.constant 0 : i32
      %dma_wait3A_97 = arith.constant 0 : i32
      %dma_wait3A_98 = tpu.memref_slice %arg4[%add3A, %run_scoped3A_56, %dma_wait3A_96, %dma_wait3A_97] : memref<32x4x32x80xi32, #tpu.memory_space<hbm>> -> memref<1x1x32x80xi32, #tpu.memory_space<hbm>>
      %dma_wait3A_99 = tpu.memref_squeeze %dma_wait3A_98 : memref<1x1x32x80xi32, #tpu.memory_space<hbm>> -> memref<32x80xi32, #tpu.memory_space<hbm>>
      %dma_wait3A_100 = arith.constant 0 : i32
      %dma_wait3A_101 = arith.constant 0 : i32
      %dma_wait3A_102 = tpu.memref_slice %arg7[%run_scoped3A_57, %dma_wait3A_100, %dma_wait3A_101] : memref<2x32x80xi32, #tpu.memory_space<vmem>> -> memref<1x32x80xi32, #tpu.memory_space<vmem>>
      %dma_wait3A_103 = tpu.memref_squeeze %dma_wait3A_102 : memref<1x32x80xi32, #tpu.memory_space<vmem>> -> memref<32x80xi32, #tpu.memory_space<vmem>>
      %dma_wait3A_104 = arith.constant 0 : i32
      %dma_wait3A_105 = arith.constant 0 : i32
      %dma_wait3A_106 = tpu.memref_slice %arg4[%add3A, %run_scoped3A_56, %dma_wait3A_104, %dma_wait3A_105] : memref<32x4x32x80xi32, #tpu.memory_space<hbm>> -> memref<1x1x32x80xi32, #tpu.memory_space<hbm>>
      %dma_wait3A_107 = tpu.memref_squeeze %dma_wait3A_106 : memref<1x1x32x80xi32, #tpu.memory_space<hbm>> -> memref<32x80xi32, #tpu.memory_space<hbm>>
      tpu.wait_dma2 semaphore(%run_scoped3A_77 : memref<!tpu.dma_semaphore, #tpu.memory_space<semaphore_mem>>) src(%dma_wait3A_107 : memref<32x80xi32, #tpu.memory_space<hbm>>) dst(%dma_wait3A_103 : memref<32x80xi32, #tpu.memory_space<vmem>>)
      tpu.yield
    }) : () -> ()
    %scan3A_58 = arith.constant 0 : i32
    %scan3A_59 = arith.constant 0 : i32
    %scan3A_60 = arith.constant 32 : i32
    %scan3A_61 = arith.addi %scan3A_59, %scan3A_60 : i32
    %scan3A_62 = arith.constant 1 : i32
    %scan3A_63 = scf.for %scan3A_77 = %scan3A_59 to %scan3A_61 step %scan3A_62 iter_args(%scan3A_78 = %scan3A_58) -> (i32)  : i32 {
      %dma_start3A = arith.constant 0 : i32
      %dma_start3A_79 = arith.constant 0 : i32
      %dma_start3A_80 = arith.constant 0 : i32
      %dma_start3A_81 = arith.constant 0 : i32
      %dma_start3A_82 = tpu.memref_slice %arg8[%dma_start3A_79, %dma_start3A_80, %dma_start3A_81] : memref<2x80x128xf32, #tpu.memory_space<vmem>> -> memref<1x80x128xf32, #tpu.memory_space<vmem>>
      %dma_start3A_83 = tpu.memref_squeeze %dma_start3A_82 : memref<1x80x128xf32, #tpu.memory_space<vmem>> -> memref<80x128xf32, #tpu.memory_space<vmem>>
      %dma_start3A_84 = arith.constant 0 : i32
      %dma_start3A_85 = tpu.memref_slice %arg6[%dma_start3A, %scan3A_77, %dma_start3A_84] : memref<2x32x80xi32, #tpu.memory_space<vmem>> -> memref<1x1x80xi32, #tpu.memory_space<vmem>>
      %dma_start3A_86 = tpu.memref_squeeze %dma_start3A_85 : memref<1x1x80xi32, #tpu.memory_space<vmem>> -> memref<80xi32, #tpu.memory_space<vmem>>
      %dma_start3A_87 = arith.constant 0 : i32
      %dma_start3A_88 = arith.constant 0 : i32
      %dma_start3A_89 = tpu.memref_slice %arg2[%dma_start3A_87, %dma_start3A_88] : memref<10000x128xf32, #tpu.memory_space<hbm>> -> memref<10000x128xf32, #tpu.memory_space<hbm>>
      tpu.enqueue_indirect_dma source(%dma_start3A_89 : memref<10000x128xf32, #tpu.memory_space<hbm>>) target(%dma_start3A_83 : memref<80x128xf32, #tpu.memory_space<vmem>>) offsets(%dma_start3A_86 : memref<80xi32, #tpu.memory_space<vmem>>) semaphore(%arg10 : memref<!tpu.dma_semaphore, #tpu.memory_space<semaphore_mem>>)
      %dma_wait3A = arith.constant 0 : i32
      %dma_wait3A_90 = arith.constant 0 : i32
      %dma_wait3A_91 = arith.constant 0 : i32
      %dma_wait3A_92 = arith.constant 0 : i32
      %dma_wait3A_93 = tpu.memref_slice %arg8[%dma_wait3A_90, %dma_wait3A_91, %dma_wait3A_92] : memref<2x80x128xf32, #tpu.memory_space<vmem>> -> memref<1x80x128xf32, #tpu.memory_space<vmem>>
      %dma_wait3A_94 = tpu.memref_squeeze %dma_wait3A_93 : memref<1x80x128xf32, #tpu.memory_space<vmem>> -> memref<80x128xf32, #tpu.memory_space<vmem>>
      %dma_wait3A_95 = arith.constant 0 : i32
      %dma_wait3A_96 = tpu.memref_slice %arg6[%dma_wait3A, %scan3A_77, %dma_wait3A_95] : memref<2x32x80xi32, #tpu.memory_space<vmem>> -> memref<1x1x80xi32, #tpu.memory_space<vmem>>
      %dma_wait3A_97 = tpu.memref_squeeze %dma_wait3A_96 : memref<1x1x80xi32, #tpu.memory_space<vmem>> -> memref<80xi32, #tpu.memory_space<vmem>>
      %dma_wait3A_98 = arith.constant 0 : i32
      %dma_wait3A_99 = arith.constant 0 : i32
      %dma_wait3A_100 = tpu.memref_slice %arg2[%dma_wait3A_98, %dma_wait3A_99] : memref<10000x128xf32, #tpu.memory_space<hbm>> -> memref<10000x128xf32, #tpu.memory_space<hbm>>
      tpu.wait_indirect_dma semaphore(%arg10 : memref<!tpu.dma_semaphore, #tpu.memory_space<semaphore_mem>>) src(%dma_wait3A_100 : memref<10000x128xf32, #tpu.memory_space<hbm>>) dst(%dma_wait3A_94 : memref<80x128xf32, #tpu.memory_space<vmem>>)
      %run_scoped3A_101 = arith.constant 0 : i32
      %run_scoped3A_102 = arith.constant 0 : i32
      "tpu.region"() ({
        %run_scoped3A_104 = tpu.sem_alloc : memref<!tpu.dma_semaphore, #tpu.memory_space<semaphore_mem>>
        %dma_start3A_105 = arith.constant 0 : i32
        %dma_start3A_106 = arith.constant 0 : i32
        %dma_start3A_107 = tpu.memref_slice %arg8[%run_scoped3A_101, %dma_start3A_105, %dma_start3A_106] : memref<2x80x128xf32, #tpu.memory_space<vmem>> -> memref<1x80x128xf32, #tpu.memory_space<vmem>>
        %dma_start3A_108 = tpu.memref_squeeze %dma_start3A_107 : memref<1x80x128xf32, #tpu.memory_space<vmem>> -> memref<80x128xf32, #tpu.memory_space<vmem>>
        %dma_start3A_109 = arith.constant 0 : i32
        %dma_start3A_110 = tpu.memref_slice %arg7[%run_scoped3A_102, %scan3A_77, %dma_start3A_109] : memref<2x32x80xi32, #tpu.memory_space<vmem>> -> memref<1x1x80xi32, #tpu.memory_space<vmem>>
        %dma_start3A_111 = tpu.memref_squeeze %dma_start3A_110 : memref<1x1x80xi32, #tpu.memory_space<vmem>> -> memref<80xi32, #tpu.memory_space<vmem>>
        %dma_start3A_112 = arith.constant 0 : i32
        %dma_start3A_113 = arith.constant 0 : i32
        %dma_start3A_114 = tpu.memref_slice %arg9[%dma_start3A_112, %dma_start3A_113] : memref<10080x128xf32, #tpu.memory_space<vmem_shared>> -> memref<10080x128xf32, #tpu.memory_space<vmem_shared>>
        tpu.enqueue_indirect_dma source(%dma_start3A_108 : memref<80x128xf32, #tpu.memory_space<vmem>>) target(%dma_start3A_114 : memref<10080x128xf32, #tpu.memory_space<vmem_shared>>) offsets(%dma_start3A_111 : memref<80xi32, #tpu.memory_space<vmem>>) semaphore(%run_scoped3A_104 : memref<!tpu.dma_semaphore, #tpu.memory_space<semaphore_mem>>) {add = true}
        %dma_wait3A_115 = arith.constant 0 : i32
        %dma_wait3A_116 = arith.constant 0 : i32
        %dma_wait3A_117 = tpu.memref_slice %arg8[%run_scoped3A_101, %dma_wait3A_115, %dma_wait3A_116] : memref<2x80x128xf32, #tpu.memory_space<vmem>> -> memref<1x80x128xf32, #tpu.memory_space<vmem>>
        %dma_wait3A_118 = tpu.memref_squeeze %dma_wait3A_117 : memref<1x80x128xf32, #tpu.memory_space<vmem>> -> memref<80x128xf32, #tpu.memory_space<vmem>>
        %dma_wait3A_119 = arith.constant 0 : i32
        %dma_wait3A_120 = tpu.memref_slice %arg7[%run_scoped3A_102, %scan3A_77, %dma_wait3A_119] : memref<2x32x80xi32, #tpu.memory_space<vmem>> -> memref<1x1x80xi32, #tpu.memory_space<vmem>>
        %dma_wait3A_121 = tpu.memref_squeeze %dma_wait3A_120 : memref<1x1x80xi32, #tpu.memory_space<vmem>> -> memref<80xi32, #tpu.memory_space<vmem>>
        %dma_wait3A_122 = arith.constant 0 : i32
        %dma_wait3A_123 = arith.constant 0 : i32
        %dma_wait3A_124 = tpu.memref_slice %arg9[%dma_wait3A_122, %dma_wait3A_123] : memref<10080x128xf32, #tpu.memory_space<vmem_shared>> -> memref<10080x128xf32, #tpu.memory_space<vmem_shared>>
        tpu.wait_indirect_dma semaphore(%run_scoped3A_104 : memref<!tpu.dma_semaphore, #tpu.memory_space<semaphore_mem>>) src(%dma_wait3A_118 : memref<80x128xf32, #tpu.memory_space<vmem>>) dst(%dma_wait3A_124 : memref<10080x128xf32, #tpu.memory_space<vmem_shared>>)
        tpu.yield
      }) : () -> ()
      %scan3A_103 = arith.constant 0 : i32
      scf.yield %scan3A_103 : i32
    }
    %scan3A_64 = arith.constant 32 : i32
    %run_scoped3A_65 = arith.constant 3 : i32
    %run_scoped3A_66 = arith.constant 1 : i32
    "tpu.region"() ({
      %run_scoped3A_77 = tpu.sem_alloc : memref<!tpu.dma_semaphore, #tpu.memory_space<semaphore_mem>>
      %dma_start3A = arith.constant 0 : i32
      %dma_start3A_78 = arith.constant 0 : i32
      %dma_start3A_79 = tpu.memref_slice %arg6[%run_scoped3A_66, %dma_start3A, %dma_start3A_78] : memref<2x32x80xi32, #tpu.memory_space<vmem>> -> memref<1x32x80xi32, #tpu.memory_space<vmem>>
      %dma_start3A_80 = tpu.memref_squeeze %dma_start3A_79 : memref<1x32x80xi32, #tpu.memory_space<vmem>> -> memref<32x80xi32, #tpu.memory_space<vmem>>
      %dma_start3A_81 = arith.constant 0 : i32
      %dma_start3A_82 = arith.constant 0 : i32
      %dma_start3A_83 = tpu.memref_slice %arg3[%add3A, %run_scoped3A_65, %dma_start3A_81, %dma_start3A_82] : memref<32x4x32x80xi32, #tpu.memory_space<hbm>> -> memref<1x1x32x80xi32, #tpu.memory_space<hbm>>
      %dma_start3A_84 = tpu.memref_squeeze %dma_start3A_83 : memref<1x1x32x80xi32, #tpu.memory_space<hbm>> -> memref<32x80xi32, #tpu.memory_space<hbm>>
      %dma_start3A_85 = arith.constant 0 : i32
      %dma_start3A_86 = arith.constant 0 : i32
      %dma_start3A_87 = tpu.memref_slice %arg6[%run_scoped3A_66, %dma_start3A_85, %dma_start3A_86] : memref<2x32x80xi32, #tpu.memory_space<vmem>> -> memref<1x32x80xi32, #tpu.memory_space<vmem>>
      %dma_start3A_88 = tpu.memref_squeeze %dma_start3A_87 : memref<1x32x80xi32, #tpu.memory_space<vmem>> -> memref<32x80xi32, #tpu.memory_space<vmem>>
      %dma_start3A_89 = arith.constant 0 : i32
      %dma_start3A_90 = arith.constant 0 : i32
      %dma_start3A_91 = tpu.memref_slice %arg3[%add3A, %run_scoped3A_65, %dma_start3A_89, %dma_start3A_90] : memref<32x4x32x80xi32, #tpu.memory_space<hbm>> -> memref<1x1x32x80xi32, #tpu.memory_space<hbm>>
      %dma_start3A_92 = tpu.memref_squeeze %dma_start3A_91 : memref<1x1x32x80xi32, #tpu.memory_space<hbm>> -> memref<32x80xi32, #tpu.memory_space<hbm>>
      tpu.enqueue_dma source(%dma_start3A_92 : memref<32x80xi32, #tpu.memory_space<hbm>>) target(%dma_start3A_88 : memref<32x80xi32, #tpu.memory_space<vmem>>) target_semaphore(%run_scoped3A_77 : memref<!tpu.dma_semaphore, #tpu.memory_space<semaphore_mem>>)
      %dma_wait3A = arith.constant 0 : i32
      %dma_wait3A_93 = arith.constant 0 : i32
      %dma_wait3A_94 = tpu.memref_slice %arg6[%run_scoped3A_66, %dma_wait3A, %dma_wait3A_93] : memref<2x32x80xi32, #tpu.memory_space<vmem>> -> memref<1x32x80xi32, #tpu.memory_space<vmem>>
      %dma_wait3A_95 = tpu.memref_squeeze %dma_wait3A_94 : memref<1x32x80xi32, #tpu.memory_space<vmem>> -> memref<32x80xi32, #tpu.memory_space<vmem>>
      %dma_wait3A_96 = arith.constant 0 : i32
      %dma_wait3A_97 = arith.constant 0 : i32
      %dma_wait3A_98 = tpu.memref_slice %arg3[%add3A, %run_scoped3A_65, %dma_wait3A_96, %dma_wait3A_97] : memref<32x4x32x80xi32, #tpu.memory_space<hbm>> -> memref<1x1x32x80xi32, #tpu.memory_space<hbm>>
      %dma_wait3A_99 = tpu.memref_squeeze %dma_wait3A_98 : memref<1x1x32x80xi32, #tpu.memory_space<hbm>> -> memref<32x80xi32, #tpu.memory_space<hbm>>
      %dma_wait3A_100 = arith.constant 0 : i32
      %dma_wait3A_101 = arith.constant 0 : i32
      %dma_wait3A_102 = tpu.memref_slice %arg6[%run_scoped3A_66, %dma_wait3A_100, %dma_wait3A_101] : memref<2x32x80xi32, #tpu.memory_space<vmem>> -> memref<1x32x80xi32, #tpu.memory_space<vmem>>
      %dma_wait3A_103 = tpu.memref_squeeze %dma_wait3A_102 : memref<1x32x80xi32, #tpu.memory_space<vmem>> -> memref<32x80xi32, #tpu.memory_space<vmem>>
      %dma_wait3A_104 = arith.constant 0 : i32
      %dma_wait3A_105 = arith.constant 0 : i32
      %dma_wait3A_106 = tpu.memref_slice %arg3[%add3A, %run_scoped3A_65, %dma_wait3A_104, %dma_wait3A_105] : memref<32x4x32x80xi32, #tpu.memory_space<hbm>> -> memref<1x1x32x80xi32, #tpu.memory_space<hbm>>
      %dma_wait3A_107 = tpu.memref_squeeze %dma_wait3A_106 : memref<1x1x32x80xi32, #tpu.memory_space<hbm>> -> memref<32x80xi32, #tpu.memory_space<hbm>>
      tpu.wait_dma2 semaphore(%run_scoped3A_77 : memref<!tpu.dma_semaphore, #tpu.memory_space<semaphore_mem>>) src(%dma_wait3A_107 : memref<32x80xi32, #tpu.memory_space<hbm>>) dst(%dma_wait3A_103 : memref<32x80xi32, #tpu.memory_space<vmem>>)
      tpu.yield
    }) : () -> ()
    %run_scoped3A_67 = arith.constant 3 : i32
    %run_scoped3A_68 = arith.constant 1 : i32
    "tpu.region"() ({
      %run_scoped3A_77 = tpu.sem_alloc : memref<!tpu.dma_semaphore, #tpu.memory_space<semaphore_mem>>
      %dma_start3A = arith.constant 0 : i32
      %dma_start3A_78 = arith.constant 0 : i32
      %dma_start3A_79 = tpu.memref_slice %arg7[%run_scoped3A_68, %dma_start3A, %dma_start3A_78] : memref<2x32x80xi32, #tpu.memory_space<vmem>> -> memref<1x32x80xi32, #tpu.memory_space<vmem>>
      %dma_start3A_80 = tpu.memref_squeeze %dma_start3A_79 : memref<1x32x80xi32, #tpu.memory_space<vmem>> -> memref<32x80xi32, #tpu.memory_space<vmem>>
      %dma_start3A_81 = arith.constant 0 : i32
      %dma_start3A_82 = arith.constant 0 : i32
      %dma_start3A_83 = tpu.memref_slice %arg4[%add3A, %run_scoped3A_67, %dma_start3A_81, %dma_start3A_82] : memref<32x4x32x80xi32, #tpu.memory_space<hbm>> -> memref<1x1x32x80xi32, #tpu.memory_space<hbm>>
      %dma_start3A_84 = tpu.memref_squeeze %dma_start3A_83 : memref<1x1x32x80xi32, #tpu.memory_space<hbm>> -> memref<32x80xi32, #tpu.memory_space<hbm>>
      %dma_start3A_85 = arith.constant 0 : i32
      %dma_start3A_86 = arith.constant 0 : i32
      %dma_start3A_87 = tpu.memref_slice %arg7[%run_scoped3A_68, %dma_start3A_85, %dma_start3A_86] : memref<2x32x80xi32, #tpu.memory_space<vmem>> -> memref<1x32x80xi32, #tpu.memory_space<vmem>>
      %dma_start3A_88 = tpu.memref_squeeze %dma_start3A_87 : memref<1x32x80xi32, #tpu.memory_space<vmem>> -> memref<32x80xi32, #tpu.memory_space<vmem>>
      %dma_start3A_89 = arith.constant 0 : i32
      %dma_start3A_90 = arith.constant 0 : i32
      %dma_start3A_91 = tpu.memref_slice %arg4[%add3A, %run_scoped3A_67, %dma_start3A_89, %dma_start3A_90] : memref<32x4x32x80xi32, #tpu.memory_space<hbm>> -> memref<1x1x32x80xi32, #tpu.memory_space<hbm>>
      %dma_start3A_92 = tpu.memref_squeeze %dma_start3A_91 : memref<1x1x32x80xi32, #tpu.memory_space<hbm>> -> memref<32x80xi32, #tpu.memory_space<hbm>>
      tpu.enqueue_dma source(%dma_start3A_92 : memref<32x80xi32, #tpu.memory_space<hbm>>) target(%dma_start3A_88 : memref<32x80xi32, #tpu.memory_space<vmem>>) target_semaphore(%run_scoped3A_77 : memref<!tpu.dma_semaphore, #tpu.memory_space<semaphore_mem>>)
      %dma_wait3A = arith.constant 0 : i32
      %dma_wait3A_93 = arith.constant 0 : i32
      %dma_wait3A_94 = tpu.memref_slice %arg7[%run_scoped3A_68, %dma_wait3A, %dma_wait3A_93] : memref<2x32x80xi32, #tpu.memory_space<vmem>> -> memref<1x32x80xi32, #tpu.memory_space<vmem>>
      %dma_wait3A_95 = tpu.memref_squeeze %dma_wait3A_94 : memref<1x32x80xi32, #tpu.memory_space<vmem>> -> memref<32x80xi32, #tpu.memory_space<vmem>>
      %dma_wait3A_96 = arith.constant 0 : i32
      %dma_wait3A_97 = arith.constant 0 : i32
      %dma_wait3A_98 = tpu.memref_slice %arg4[%add3A, %run_scoped3A_67, %dma_wait3A_96, %dma_wait3A_97] : memref<32x4x32x80xi32, #tpu.memory_space<hbm>> -> memref<1x1x32x80xi32, #tpu.memory_space<hbm>>
      %dma_wait3A_99 = tpu.memref_squeeze %dma_wait3A_98 : memref<1x1x32x80xi32, #tpu.memory_space<hbm>> -> memref<32x80xi32, #tpu.memory_space<hbm>>
      %dma_wait3A_100 = arith.constant 0 : i32
      %dma_wait3A_101 = arith.constant 0 : i32
      %dma_wait3A_102 = tpu.memref_slice %arg7[%run_scoped3A_68, %dma_wait3A_100, %dma_wait3A_101] : memref<2x32x80xi32, #tpu.memory_space<vmem>> -> memref<1x32x80xi32, #tpu.memory_space<vmem>>
      %dma_wait3A_103 = tpu.memref_squeeze %dma_wait3A_102 : memref<1x32x80xi32, #tpu.memory_space<vmem>> -> memref<32x80xi32, #tpu.memory_space<vmem>>
      %dma_wait3A_104 = arith.constant 0 : i32
      %dma_wait3A_105 = arith.constant 0 : i32
      %dma_wait3A_106 = tpu.memref_slice %arg4[%add3A, %run_scoped3A_67, %dma_wait3A_104, %dma_wait3A_105] : memref<32x4x32x80xi32, #tpu.memory_space<hbm>> -> memref<1x1x32x80xi32, #tpu.memory_space<hbm>>
      %dma_wait3A_107 = tpu.memref_squeeze %dma_wait3A_106 : memref<1x1x32x80xi32, #tpu.memory_space<hbm>> -> memref<32x80xi32, #tpu.memory_space<hbm>>
      tpu.wait_dma2 semaphore(%run_scoped3A_77 : memref<!tpu.dma_semaphore, #tpu.memory_space<semaphore_mem>>) src(%dma_wait3A_107 : memref<32x80xi32, #tpu.memory_space<hbm>>) dst(%dma_wait3A_103 : memref<32x80xi32, #tpu.memory_space<vmem>>)
      tpu.yield
    }) : () -> ()
    %scan3A_69 = arith.constant 0 : i32
    %scan3A_70 = arith.constant 0 : i32
    %scan3A_71 = arith.constant 32 : i32
    %scan3A_72 = arith.addi %scan3A_70, %scan3A_71 : i32
    %scan3A_73 = arith.constant 1 : i32
    %scan3A_74 = scf.for %scan3A_77 = %scan3A_70 to %scan3A_72 step %scan3A_73 iter_args(%scan3A_78 = %scan3A_69) -> (i32)  : i32 {
      %dma_start3A = arith.constant 1 : i32
      %dma_start3A_79 = arith.constant 0 : i32
      %dma_start3A_80 = arith.constant 0 : i32
      %dma_start3A_81 = arith.constant 0 : i32
      %dma_start3A_82 = tpu.memref_slice %arg8[%dma_start3A_79, %dma_start3A_80, %dma_start3A_81] : memref<2x80x128xf32, #tpu.memory_space<vmem>> -> memref<1x80x128xf32, #tpu.memory_space<vmem>>
      %dma_start3A_83 = tpu.memref_squeeze %dma_start3A_82 : memref<1x80x128xf32, #tpu.memory_space<vmem>> -> memref<80x128xf32, #tpu.memory_space<vmem>>
      %dma_start3A_84 = arith.constant 0 : i32
      %dma_start3A_85 = tpu.memref_slice %arg6[%dma_start3A, %scan3A_77, %dma_start3A_84] : memref<2x32x80xi32, #tpu.memory_space<vmem>> -> memref<1x1x80xi32, #tpu.memory_space<vmem>>
      %dma_start3A_86 = tpu.memref_squeeze %dma_start3A_85 : memref<1x1x80xi32, #tpu.memory_space<vmem>> -> memref<80xi32, #tpu.memory_space<vmem>>
      %dma_start3A_87 = arith.constant 0 : i32
      %dma_start3A_88 = arith.constant 0 : i32
      %dma_start3A_89 = tpu.memref_slice %arg2[%dma_start3A_87, %dma_start3A_88] : memref<10000x128xf32, #tpu.memory_space<hbm>> -> memref<10000x128xf32, #tpu.memory_space<hbm>>
      tpu.enqueue_indirect_dma source(%dma_start3A_89 : memref<10000x128xf32, #tpu.memory_space<hbm>>) target(%dma_start3A_83 : memref<80x128xf32, #tpu.memory_space<vmem>>) offsets(%dma_start3A_86 : memref<80xi32, #tpu.memory_space<vmem>>) semaphore(%arg10 : memref<!tpu.dma_semaphore, #tpu.memory_space<semaphore_mem>>)
      %dma_wait3A = arith.constant 1 : i32
      %dma_wait3A_90 = arith.constant 0 : i32
      %dma_wait3A_91 = arith.constant 0 : i32
      %dma_wait3A_92 = arith.constant 0 : i32
      %dma_wait3A_93 = tpu.memref_slice %arg8[%dma_wait3A_90, %dma_wait3A_91, %dma_wait3A_92] : memref<2x80x128xf32, #tpu.memory_space<vmem>> -> memref<1x80x128xf32, #tpu.memory_space<vmem>>
      %dma_wait3A_94 = tpu.memref_squeeze %dma_wait3A_93 : memref<1x80x128xf32, #tpu.memory_space<vmem>> -> memref<80x128xf32, #tpu.memory_space<vmem>>
      %dma_wait3A_95 = arith.constant 0 : i32
      %dma_wait3A_96 = tpu.memref_slice %arg6[%dma_wait3A, %scan3A_77, %dma_wait3A_95] : memref<2x32x80xi32, #tpu.memory_space<vmem>> -> memref<1x1x80xi32, #tpu.memory_space<vmem>>
      %dma_wait3A_97 = tpu.memref_squeeze %dma_wait3A_96 : memref<1x1x80xi32, #tpu.memory_space<vmem>> -> memref<80xi32, #tpu.memory_space<vmem>>
      %dma_wait3A_98 = arith.constant 0 : i32
      %dma_wait3A_99 = arith.constant 0 : i32
      %dma_wait3A_100 = tpu.memref_slice %arg2[%dma_wait3A_98, %dma_wait3A_99] : memref<10000x128xf32, #tpu.memory_space<hbm>> -> memref<10000x128xf32, #tpu.memory_space<hbm>>
      tpu.wait_indirect_dma semaphore(%arg10 : memref<!tpu.dma_semaphore, #tpu.memory_space<semaphore_mem>>) src(%dma_wait3A_100 : memref<10000x128xf32, #tpu.memory_space<hbm>>) dst(%dma_wait3A_94 : memref<80x128xf32, #tpu.memory_space<vmem>>)
      %run_scoped3A_101 = arith.constant 0 : i32
      %run_scoped3A_102 = arith.constant 1 : i32
      "tpu.region"() ({
        %run_scoped3A_104 = tpu.sem_alloc : memref<!tpu.dma_semaphore, #tpu.memory_space<semaphore_mem>>
        %dma_start3A_105 = arith.constant 0 : i32
        %dma_start3A_106 = arith.constant 0 : i32
        %dma_start3A_107 = tpu.memref_slice %arg8[%run_scoped3A_101, %dma_start3A_105, %dma_start3A_106] : memref<2x80x128xf32, #tpu.memory_space<vmem>> -> memref<1x80x128xf32, #tpu.memory_space<vmem>>
        %dma_start3A_108 = tpu.memref_squeeze %dma_start3A_107 : memref<1x80x128xf32, #tpu.memory_space<vmem>> -> memref<80x128xf32, #tpu.memory_space<vmem>>
        %dma_start3A_109 = arith.constant 0 : i32
        %dma_start3A_110 = tpu.memref_slice %arg7[%run_scoped3A_102, %scan3A_77, %dma_start3A_109] : memref<2x32x80xi32, #tpu.memory_space<vmem>> -> memref<1x1x80xi32, #tpu.memory_space<vmem>>
        %dma_start3A_111 = tpu.memref_squeeze %dma_start3A_110 : memref<1x1x80xi32, #tpu.memory_space<vmem>> -> memref<80xi32, #tpu.memory_space<vmem>>
        %dma_start3A_112 = arith.constant 0 : i32
        %dma_start3A_113 = arith.constant 0 : i32
        %dma_start3A_114 = tpu.memref_slice %arg9[%dma_start3A_112, %dma_start3A_113] : memref<10080x128xf32, #tpu.memory_space<vmem_shared>> -> memref<10080x128xf32, #tpu.memory_space<vmem_shared>>
        tpu.enqueue_indirect_dma source(%dma_start3A_108 : memref<80x128xf32, #tpu.memory_space<vmem>>) target(%dma_start3A_114 : memref<10080x128xf32, #tpu.memory_space<vmem_shared>>) offsets(%dma_start3A_111 : memref<80xi32, #tpu.memory_space<vmem>>) semaphore(%run_scoped3A_104 : memref<!tpu.dma_semaphore, #tpu.memory_space<semaphore_mem>>) {add = true}
        %dma_wait3A_115 = arith.constant 0 : i32
        %dma_wait3A_116 = arith.constant 0 : i32
        %dma_wait3A_117 = tpu.memref_slice %arg8[%run_scoped3A_101, %dma_wait3A_115, %dma_wait3A_116] : memref<2x80x128xf32, #tpu.memory_space<vmem>> -> memref<1x80x128xf32, #tpu.memory_space<vmem>>
        %dma_wait3A_118 = tpu.memref_squeeze %dma_wait3A_117 : memref<1x80x128xf32, #tpu.memory_space<vmem>> -> memref<80x128xf32, #tpu.memory_space<vmem>>
        %dma_wait3A_119 = arith.constant 0 : i32
        %dma_wait3A_120 = tpu.memref_slice %arg7[%run_scoped3A_102, %scan3A_77, %dma_wait3A_119] : memref<2x32x80xi32, #tpu.memory_space<vmem>> -> memref<1x1x80xi32, #tpu.memory_space<vmem>>
        %dma_wait3A_121 = tpu.memref_squeeze %dma_wait3A_120 : memref<1x1x80xi32, #tpu.memory_space<vmem>> -> memref<80xi32, #tpu.memory_space<vmem>>
        %dma_wait3A_122 = arith.constant 0 : i32
        %dma_wait3A_123 = arith.constant 0 : i32
        %dma_wait3A_124 = tpu.memref_slice %arg9[%dma_wait3A_122, %dma_wait3A_123] : memref<10080x128xf32, #tpu.memory_space<vmem_shared>> -> memref<10080x128xf32, #tpu.memory_space<vmem_shared>>
        tpu.wait_indirect_dma semaphore(%run_scoped3A_104 : memref<!tpu.dma_semaphore, #tpu.memory_space<semaphore_mem>>) src(%dma_wait3A_118 : memref<80x128xf32, #tpu.memory_space<vmem>>) dst(%dma_wait3A_124 : memref<10080x128xf32, #tpu.memory_space<vmem_shared>>)
        tpu.yield
      }) : () -> ()
      %scan3A_103 = arith.constant 0 : i32
      scf.yield %scan3A_103 : i32
    }
    %scan3A_75 = arith.constant 32 : i32
    %barrier3A_76 = arith.constant 0 : index
    tpu.barrier barrier_id(%barrier3A_76)
    "tpu.region"() ({
      %run_scoped3A_77 = tpu.sem_alloc : memref<!tpu.dma_semaphore, #tpu.memory_space<semaphore_mem>>
      %dma_start3A = arith.constant 0 : i32
      %dma_start3A_78 = arith.constant 0 : i32
      %dma_start3A_79 = tpu.memref_slice %arg5[%arg0, %arg1, %dma_start3A, %dma_start3A_78] : memref<2x16x630x128xf32, #tpu.memory_space<hbm>> -> memref<1x1x630x128xf32, #tpu.memory_space<hbm>>
      %dma_start3A_80 = tpu.memref_squeeze %dma_start3A_79 : memref<1x1x630x128xf32, #tpu.memory_space<hbm>> -> memref<630x128xf32, #tpu.memory_space<hbm>>
      %dma_start3A_81 = arith.constant 0 : i32
      %dma_start3A_82 = tpu.memref_slice %arg9[%mul3A_8, %dma_start3A_81] : memref<10080x128xf32, #tpu.memory_space<vmem_shared>> -> memref<630x128xf32, #tpu.memory_space<vmem_shared>>
      tpu.enqueue_dma source(%dma_start3A_82 : memref<630x128xf32, #tpu.memory_space<vmem_shared>>) target(%dma_start3A_80 : memref<630x128xf32, #tpu.memory_space<hbm>>) target_semaphore(%run_scoped3A_77 : memref<!tpu.dma_semaphore, #tpu.memory_space<semaphore_mem>>)
      %dma_wait3A = arith.constant 0 : i32
      %dma_wait3A_83 = arith.constant 0 : i32
      %dma_wait3A_84 = tpu.memref_slice %arg5[%arg0, %arg1, %dma_wait3A, %dma_wait3A_83] : memref<2x16x630x128xf32, #tpu.memory_space<hbm>> -> memref<1x1x630x128xf32, #tpu.memory_space<hbm>>
      %dma_wait3A_85 = tpu.memref_squeeze %dma_wait3A_84 : memref<1x1x630x128xf32, #tpu.memory_space<hbm>> -> memref<630x128xf32, #tpu.memory_space<hbm>>
      %dma_wait3A_86 = arith.constant 0 : i32
      %dma_wait3A_87 = tpu.memref_slice %arg9[%mul3A_8, %dma_wait3A_86] : memref<10080x128xf32, #tpu.memory_space<vmem_shared>> -> memref<630x128xf32, #tpu.memory_space<vmem_shared>>
      tpu.wait_dma2 semaphore(%run_scoped3A_77 : memref<!tpu.dma_semaphore, #tpu.memory_space<semaphore_mem>>) src(%dma_wait3A_87 : memref<630x128xf32, #tpu.memory_space<vmem_shared>>) dst(%dma_wait3A_85 : memref<630x128xf32, #tpu.memory_space<hbm>>)
      tpu.yield
    }) : () -> ()
    return
  }
}

module attributes {stable_mosaic.version = 14 : i64} {
  func.func @_tc_finish_body(%arg0: i32, %arg1: memref<2000x128xf32, #tpu.memory_space<vmem>>, %arg2: memref<2000x128xf32, #tpu.memory_space<vmem>>, %arg3: memref<2000x128xf32, #tpu.memory_space<vmem>>, %arg4: memref<128x128xf32, #tpu.memory_space<vmem>>, %arg5: memref<128x128xf32, #tpu.memory_space<vmem>>, %arg6: memref<1x128xf32, #tpu.memory_space<vmem>>, %arg7: memref<2000x128xf32, #tpu.memory_space<vmem>>) attributes {dimension_semantics = [#tpu.dimension_semantics<arbitrary>], iteration_bounds = array<i64: 5>, scalar_prefetch = 0 : i64, scratch_operands = 0 : i64, tpu.core_type = #tpu.core_type<tc>, window_params = [{transform_indices = @transform_0, window_bounds = array<i64: 2000, 128>}, {transform_indices = @transform_1, window_bounds = array<i64: 2000, 128>}, {transform_indices = @transform_2, window_bounds = array<i64: 2000, 128>}, {pipeline_mode = #tpu.pipeline_mode<synchronous>, transform_indices = @transform_3, window_bounds = array<i64: 128, 128>}, {pipeline_mode = #tpu.pipeline_mode<synchronous>, transform_indices = @transform_4, window_bounds = array<i64: 128, 128>}, {pipeline_mode = #tpu.pipeline_mode<synchronous>, transform_indices = @transform_5, window_bounds = array<i64: 1, 128>}, {transform_indices = @transform_6, window_bounds = array<i64: 2000, 128>}]} {
    %get3A = arith.constant 0 : index
    %get3A_0 = arith.constant 0 : index
    %get3A_1 = vector.load %arg1[%get3A, %get3A_0] : memref<2000x128xf32, #tpu.memory_space<vmem>>, vector<2000x128xf32>
    %get3A_2 = arith.constant 0 : index
    %get3A_3 = arith.constant 0 : index
    %get3A_4 = vector.load %arg2[%get3A_2, %get3A_3] : memref<2000x128xf32, #tpu.memory_space<vmem>>, vector<2000x128xf32>
    %get3A_5 = arith.constant 0 : index
    %get3A_6 = arith.constant 0 : index
    %get3A_7 = vector.load %arg3[%get3A_5, %get3A_6] : memref<2000x128xf32, #tpu.memory_space<vmem>>, vector<2000x128xf32>
    %add3A = arith.addf %get3A_4, %get3A_7 : vector<2000x128xf32>
    %get3A_8 = arith.constant 0 : index
    %get3A_9 = arith.constant 0 : index
    %get3A_10 = vector.load %arg4[%get3A_8, %get3A_9] : memref<128x128xf32, #tpu.memory_space<vmem>>, vector<128x128xf32>
    %dot_general3A = arith.constant dense<0.000000e+00> : vector<2000x128xf32>
    %dot_general3A_11 = tpu.matmul %get3A_1, %get3A_10, %dot_general3A {dimension_numbers = #tpu.dot_dimension_numbers<[1], [0], [0], [1], [0, 0, 1, 1], [], []>, transpose_lhs_hint = false} : vector<2000x128xf32>, vector<128x128xf32>, vector<2000x128xf32> -> vector<2000x128xf32>
    %get3A_12 = arith.constant 0 : index
    %get3A_13 = arith.constant 0 : index
    %get3A_14 = vector.load %arg5[%get3A_12, %get3A_13] : memref<128x128xf32, #tpu.memory_space<vmem>>, vector<128x128xf32>
    %dot_general3A_15 = arith.constant dense<0.000000e+00> : vector<2000x128xf32>
    %dot_general3A_16 = tpu.matmul %add3A, %get3A_14, %dot_general3A_15 {dimension_numbers = #tpu.dot_dimension_numbers<[1], [0], [0], [1], [0, 0, 1, 1], [], []>, transpose_lhs_hint = false} : vector<2000x128xf32>, vector<128x128xf32>, vector<2000x128xf32> -> vector<2000x128xf32>
    %add3A_17 = arith.addf %dot_general3A_11, %dot_general3A_16 : vector<2000x128xf32>
    %get3A_18 = arith.constant 0 : index
    %get3A_19 = arith.constant 0 : index
    %get3A_20 = vector.load %arg6[%get3A_18, %get3A_19] : memref<1x128xf32, #tpu.memory_space<vmem>>, vector<1x128xf32>
    %add3A_21 = vector.broadcast %get3A_20 : vector<1x128xf32> to vector<2000x128xf32>
    %add3A_22 = arith.addf %add3A_17, %add3A_21 : vector<2000x128xf32>
    %add3A_23 = arith.addf %add3A_22, %get3A_1 : vector<2000x128xf32>
    %tanh3A = math.tanh %add3A_23 : vector<2000x128xf32>
    %swap3A = arith.constant 0 : index
    %swap3A_24 = arith.constant 0 : index
    %swap3A_25 = vector.load %arg7[%swap3A, %swap3A_24] : memref<2000x128xf32, #tpu.memory_space<vmem>>, vector<2000x128xf32>
    tpu.vector_store %arg7[%swap3A, %swap3A_24], %tanh3A {strides = array<i32>} : memref<2000x128xf32, #tpu.memory_space<vmem>>, vector<2000x128xf32>,
    return
  }
  func.func @transform_0(%arg0: i32) -> (i32, i32) {
    %c0_i32 = arith.constant 0 : i32
    %c0_i32_0 = arith.constant 0 : i32
    return %arg0, %c0_i32 : i32, i32
  }
  func.func @transform_1(%arg0: i32) -> (i32, i32) {
    %c0_i32 = arith.constant 0 : i32
    %c0_i32_0 = arith.constant 0 : i32
    return %arg0, %c0_i32 : i32, i32
  }
  func.func @transform_2(%arg0: i32) -> (i32, i32) {
    %c0_i32 = arith.constant 0 : i32
    %c0_i32_0 = arith.constant 0 : i32
    return %arg0, %c0_i32 : i32, i32
  }
  func.func @transform_3(%arg0: i32) -> (i32, i32) {
    %c0_i32 = arith.constant 0 : i32
    %c0_i32_0 = arith.constant 0 : i32
    %c0_i32_1 = arith.constant 0 : i32
    return %c0_i32, %c0_i32_0 : i32, i32
  }
  func.func @transform_4(%arg0: i32) -> (i32, i32) {
    %c0_i32 = arith.constant 0 : i32
    %c0_i32_0 = arith.constant 0 : i32
    %c0_i32_1 = arith.constant 0 : i32
    return %c0_i32, %c0_i32_0 : i32, i32
  }
  func.func @transform_5(%arg0: i32) -> (i32, i32) {
    %c0_i32 = arith.constant 0 : i32
    %c0_i32_0 = arith.constant 0 : i32
    %c0_i32_1 = arith.constant 0 : i32
    return %c0_i32, %c0_i32_0 : i32, i32
  }
  func.func @transform_6(%arg0: i32) -> (i32, i32) {
    %c0_i32 = arith.constant 0 : i32
    %c0_i32_0 = arith.constant 0 : i32
    return %arg0, %c0_i32 : i32, i32
  }
}

</mosaic_0001>

<sc_bundles>
// kernel: kernel.4.cloned.1.call-start
scs
__scs_entry_jumppad:
0x0: {  	(pc) =	sbr.rel $0x88, $3  }
0x1: {  	(tag) =	ssettag $0x0;
	lr =	simm.s32 $0x1  }
0x2: {  	[smem:$0x3F9C] =	sst lr;
	_ =	strace $0xD0000000  }
0x3: {  	_ = 	snop  }
0x4: {  	_ = 	snop  }
0x5: {  	_ = 	snop  }
0x6: {  	_ = 	snop  }
0x7: {  	_ = 	snop  }
__scs_overlays_trampoline_lowered:
0x8: {  	[smem:$0x3FAB] =	sst s0  }
0x9: {  	[smem:$0x3FAC] =	sst s1  }
0xa: {  	[smem:$0x3FAD] =	sst s2  }
0xb: {  	[smem:$0x3FAE] =	sst s3  }
0xc: {  	[smem:$0x3FAF] =	sst s4  }
0xd: {  	[smem:$0x3FB0] =	sst s5  }
0xe: {  	[smem:$0x3FB1] =	sst s6  }
0xf: {  	[smem:$0x3FB2] =	sst s7  }
0x10: {  	[smem:$0x3FB3] =	sst s8  }
0x11: {  	[smem:$0x3FB4] =	sst s9;
	s0 =	simm.s32 @!p0 $0x0  }
0x12: {  	s1 =	sld [smem:$0x3F9A];
	s0 =	simm.s32 @p0 $0x1  }
0x13: {  	[smem:$0x3FB5] =	sst s0;
	s0 =	simm.s32 @!p1 $0x0  }
0x14: {  	s2 =	sld [smem:$0x3F99];
	s0 =	simm.s32 @p1 $0x1  }
0x15: {  	[smem:$0x3FB6] =	sst s0;
	s0 =	simm.s32 @!p2 $0x0  }
0x16: {  	s3 =	sld [smem:$0x3FDB];
	s0 =	simm.s32 @p2 $0x1  }
0x17: {  	s4 =	simm.s32 $0x1BF5;
	[smem:$0x3FB8] =	sst s0  }
0x18: {  	s0 =	sld [smem:$0x3F9B];
	_ =	swait.ge [sflag:s4], $0x0  }
0x19: {  	s7 =	sld [smem:$0x3F9C]  }
0x1a: {  	s8 =	sadd.s32 $0xFFFFE003, lr  }
0x1b: {  	s9 =	sadd.s32 $0xFFFFFEF7, lr;
	s5 =	simm.s32 $0xFFFFFFFF;
	p2 =	slt.u32 s8, $0xFFFFF086  }
0x1c: {  	p1 =	slt.u32 s9, $0xF7A;
	s5 =	simm.s32 @!p2 $0x0  }
0x1d: {  	s5 =	simm.s32 @p1 $0x1;
	p0 =	seq.s32 s7, s2  }
0x1e: {  	s7 =	smul.u32 @!p0 $0xF7A, s2;
	p2 =	seq.s32 @!p0 s5, $0x0  }
0x1f: {  	s9 =	smul.u32 $0xF7A, s1;
	s8 =	simm.s32 @!p0 $0x1BF5;
	p2 =	por !p2, p0  }
0x20: {  	[sflag:s8] =	ssyncset.s32 @!p0 $0xFFFFF086;
	s6 =	sadd.s32 @!p0 s3, s7;
	s7 =	simm.s32 @!p0 $0x108  }
0x21: {  	s3 =	sadd.s32 s3, s9;
	s6 =	sadd.s32 @!p0 $0x88, s6;
	s7 =	simm.s32 @p2 $0x1082  }
0x22: {  	[simem:s7], [sflag:s8] =	dma.local @!p0 [hbm:s6], $0xF7A  }
0x23: {  	s9 =	sor.u32 $0xD0000000, s2;
	s6 =	simm.s32 $0x108;
	_ =	swait.ge @!p0 [sflag:s8], $0x0  }
0x24: {  	s3 =	sadd.s32 $0x88, s3;
	s6 =	simm.s32 @!p1 $0x1082;
	[sflag:s4] =	ssyncset.s32 $0xFFFFF086  }
0x25: {  	[simem:s6], [sflag:s4] =	dma.local [hbm:s3], $0xF7A  }
0x26: {  	[smem:$0x3F9C] =	sst s1;
	(tag) =	ssettag s2;
	_ =	strace s9  }
0x27: {  	s1 =	sld [smem:$0x3FAC]  }
0x28: {  	s2 =	sld [smem:$0x3FAD]  }
0x29: {  	s4 =	sld [smem:$0x3FAF]  }
0x2a: {  	p0 =	seq.s32 s5, $0x0;
	s5 =	sld [smem:$0x3FB0]  }
0x2b: {  	s6 =	sld [smem:$0x3FB1]  }
0x2c: {  	s7 =	sld [smem:$0x3FB2]  }
0x2d: {  	s3 =	simm.s32 $0x108;
	s8 =	sld [smem:$0x3FB3]  }
0x2e: {  	s3 =	simm.s32 @!p0 $0x1082;
	s9 =	sld [smem:$0x3FB4]  }
0x2f: {  	lr =	sadd.s32 s0, s3;
	s0 =	sld [smem:$0x3FAB]  }
0x30: {  	s3 =	sld [smem:$0x3FAE]  }
0x31: {  	[smem:$0x3FB7] =	sst s10  }
0x32: {  	s10 =	sld [smem:$0x3FB5];
	_ =	sdelay $0x3  }
0x33: {  	p0 =	seq.s32 s10, $0x1;
	s10 =	sld [smem:$0x3FB7];
	_ =	sdelay $0x3  }
0x34: {  	[smem:$0x3FB7] =	sst s10  }
0x35: {  	s10 =	sld [smem:$0x3FB6];
	_ =	sdelay $0x3  }
0x36: {  	p1 =	seq.s32 s10, $0x1;
	s10 =	sld [smem:$0x3FB7];
	_ =	sdelay $0x3  }
0x37: {  	[smem:$0x3FB7] =	sst s10  }
0x38: {  	s10 =	sld [smem:$0x3FB8]  }
0x39: {  	_ = 	snop;
	(pc) =	sbr.ind lr, $3  }
0x3a: {  	_ = 	snop  }
0x3b: {  	_ = 	snop  }
0x3c: {  	p2 =	seq.s32 s10, $0x1;
	s10 =	sld [smem:$0x3FB7]  }
0x3d: {  	_ =	shalt  }
0x3e: {  	_ =	shalt  }
0x3f: {  	_ =	shalt  }
0x40: {  	_ =	shalt  }
0x41: {  	_ =	shalt  }
0x42: {  	_ =	shalt  }
0x43: {  	_ =	shalt  }
0x44: {  	_ =	shalt  }
0x45: {  	_ =	shalt  }
0x46: {  	_ =	shalt  }
0x47: {  	_ =	shalt  }
0x48: {  	_ =	shalt  }
0x49: {  	_ =	shalt  }
0x4a: {  	_ =	shalt  }
0x4b: {  	_ =	shalt  }
0x4c: {  	_ =	shalt  }
0x4d: {  	_ =	shalt  }
0x4e: {  	_ =	shalt  }
0x4f: {  	_ =	shalt  }
0x50: {  	_ =	shalt  }
0x51: {  	_ =	shalt  }
0x52: {  	_ =	shalt  }
0x53: {  	_ =	shalt  }
0x54: {  	_ =	shalt  }
0x55: {  	_ =	shalt  }
0x56: {  	_ =	shalt  }
0x57: {  	_ =	shalt  }
0x58: {  	_ =	shalt  }
0x59: {  	_ =	shalt  }
0x5a: {  	_ =	shalt  }
0x5b: {  	_ =	shalt  }
0x5c: {  	_ =	shalt  }
0x5d: {  	_ =	shalt  }
0x5e: {  	_ =	shalt  }
0x5f: {  	_ =	shalt  }
0x60: {  	_ =	shalt  }
0x61: {  	_ =	shalt  }
0x62: {  	_ =	shalt  }
0x63: {  	_ =	shalt  }
0x64: {  	_ =	shalt  }
0x65: {  	_ =	shalt  }
0x66: {  	_ =	shalt  }
0x67: {  	_ =	shalt  }
0x68: {  	_ =	shalt  }
0x69: {  	_ =	shalt  }
0x6a: {  	_ =	shalt  }
0x6b: {  	_ =	shalt  }
0x6c: {  	_ =	shalt  }
0x6d: {  	_ =	shalt  }
0x6e: {  	_ =	shalt  }
0x6f: {  	_ =	shalt  }
0x70: {  	_ =	shalt  }
0x71: {  	_ =	shalt  }
0x72: {  	_ =	shalt  }
0x73: {  	_ =	shalt  }
0x74: {  	_ =	shalt  }
0x75: {  	_ =	shalt  }
0x76: {  	_ =	shalt  }
0x77: {  	_ =	shalt  }
0x78: {  	_ =	shalt  }
0x79: {  	_ =	shalt  }
0x7a: {  	_ =	shalt  }
0x7b: {  	_ =	shalt  }
0x7c: {  	_ =	shalt  }
0x7d: {  	_ =	shalt  }
0x7e: {  	_ =	shalt  }
0x7f: {  	_ =	shalt  }
0x80: {  	_ =	shalt  }
0x81: {  	_ =	shalt  }
0x82: {  	_ =	shalt  }
0x83: {  	_ =	shalt  }
0x84: {  	_ =	shalt  }
0x85: {  	_ =	shalt  }
0x86: {  	_ =	shalt  }
0x87: {  	_ =	shalt  }
.Lfunc_end0:
.L_simem_size_0:
called_computation_lowered:
.L_overlay_start_0:
0x88: {  	s2 =	sld [smem:$0x3FD9]  }
0x89: {  	s3 =	sld [smem:$0x3FFE];
	_ =	sdelay $0x1  }
0x8a: {  	s1 =	srdreg.scid  }
0x8b: {  	s0 =	sand.u32 $0x1, s1  }
0x8c: {  	s17 =	sshll.u32 s0, $0xA;
	s2 =	sadd.s32 s3, s2  }
0x8d: {  	s2 =	sadd.s32 s2, s17  }
0x8e: {  	[smem:$0x3FC3] =	sst s2  }
0x8f: {  	_ = 	snop  }
0x90: {  	s2 =	sld [smem:$0x3FC9]  }
0x91: {  	s18 =	sld [smem:$0x3FD0];
	(tm) =	ssettm $0x1  }
0x92: {  	s4 =	sld [smem:$0x3FFB];
	_ =	sdelay $0x3  }
0x93: {  	_ =	strace s4  }
0x94: {  	s4 =	sld [smem:$0x3FFC];
	_ =	sdelay $0x3  }
0x95: {  	_ =	strace s4  }
0x96: {  	s4 =	sld [smem:$0x3FFD];
	_ =	sdelay $0x3  }
0x97: {  	_ =	strace s4  }
0x98: {  	_ =	strace $0x8FFFFFFF  }
0x99: {  	s19 =	sld [smem:$0x3FDB];
	_ =	sdelay $0x1  }
0x9a: {  	s5 =	simm.s32 $_scs_section_size  }
0x9b: {  	s6 =	simm.s32 $_size__tile_overlayer_lowered;
	s7 =	simm.s32 $_tile_overlayer_lowered  }
0x9c: {  	s22 =	simm.s32 $0x1BFF;
	s21 =	sshll.u32 s7, $0x1;
	s4 =	sadd.s32 s5, s19  }
0x9d: {  	s8 =	simm.s32 $0x0;
	s20 =	sshll.u32 s6, $0x1;
	s6 =	sadd.s32 s21, s4  }
0x9e: {  	[timem:s8], [sflag:s22] =	dma.local [hbm:s6], s20  }
0x9f: {  	_ =	swait.ge [sflag:s22], s20  }
0xa0: {  	s5 =	ssub.s32 $0x0, s20;
	[sflag:s22] =	ssyncset.done $0x0  }
0xa1: {  	[sflag:s22] =	ssyncadd.s32 s5;
	_ =	sdelay $0x1  }
0xa2: {  	s23 =	simm.s32 $0x1B8B  }
0xa3: {  	_ =	swait.ge [sflag:s23], $0x1  }
0xa4: {  	[sflag:s23] =	ssyncset.done $0x0  }
0xa5: {  	s25 =	simm.s32 $0x1B8E;
	s24 =	sld [smem:$0x3FFE];
	[sflag:s23] =	ssyncadd.s32 $0xFFFFFFFF  }
0xa6: {  	s26 =	simm.s32 $execute0_lowered;
	[smem:$0x3FD2] =	sst s25  }
0xa7: {  	s6 =	sshll.u32 s26, $0x1;
	_ =	strace $0x80000046;
	[dreg:$0x1] =	wrdreg $0xFFFFFFFF  }
0xa8: {  	s28 =	simm.s32 $_size_execute0_lowered;
	s4 =	sadd.s32 s4, s6;
	[dreg:$0x0] =	wrdreg $0x0  }
0xa9: {  	s6 =	sshll.u32 s28, $0x1;
	[dreg:$0x2] =	wrdreg s4  }
0xaa: {  	[dreg:$0x3] =	wrdreg s6  }
0xab: {  	[dreg:$0x4] =	wrdreg $0xC0  }
0xac: {  	_ =	task [dreg:s8], $0x5FFFF  }
0xad: {  	[dreg:$0x1] =	wrdreg $0xFFFFFFFF  }
0xae: {  	[dreg:$0x0] =	wrdreg $0x60  }
0xaf: {  	[dreg:$0x2] =	wrdreg s2  }
0xb0: {  	[dreg:$0x3] =	wrdreg s18  }
0xb1: {  	[dreg:$0x4] =	wrdreg s24  }
0xb2: {  	[dreg:$0x5] =	wrdreg $0x90000  }
0xb3: {  	[dreg:$0x6] =	wrdreg $0x9  }
0xb4: {  	_ =	task.clear_ibuf [dreg:s8], $0x7FFFF;
	_ =	strace $0x90000046  }
0xb5: {  	s29 =	simm.s32 $0x9;
	_ =	strace $0x80000048  }
0xb6: {  	_ =	swait.ge [sflag:s29], $0x1  }
0xb7: {  	[sflag:s29] =	ssyncadd.s32 $0xFFFFFFFF  }
0xb8: {  	_ =	strace $0x90000048  }
0xb9: {  	_ =	sfence  }
0xba: {  	s30 =	sld [smem:$0x0];
	_ =	sdelay $0x2  }
0xbb: {  	s31 =	sshll.u32 s1, $0xD;
	s1 =	sshrl.u32 s1, $0x2  }
0xbc: {  	s3 =	sand.u32 $0x4000, s31;
	s1 =	sadd.s32 s1, s30  }
0xbd: {  	s0 =	sor.u32 s3, s0;
	s1 =	sshll.u32 s1, $0x11  }
0xbe: {  	s0 =	sor.u32 s1, s0  }
0xbf: {  	s0 =	sadd.s32 $0x8F2B, s0  }
0xc0: {  	[sflag:s0] =	ssyncadd.remote.s32 $0x1  }
0xc1: {  	_ =	sfence.sel $0xFFFF  }
0xc2: {  	[dreg:$0x0] =	wrdreg $0xFFFFFFFF;
	(pc) =	sbr.abs _section_cstart, $3  }
0xc3: {  	[dreg:$0x1] =	wrdreg $0xFFFFFFFF  }
0xc4: {  	_ =	task.clear_ibuf [dreg:s8], $0x2FFFF;
	_ =	strace $0x9FFFFFFF  }
0xc5: {  	(tm) =	ssettm $0x7FFFFFFF  }
tec
execute0_lowered:
.L_overlay_start_1:
0x0: {  	(tag) =	ssettag $0x1  }
0x1: {  	s0 =	rddreg [dreg:$0x0]  }
0x2: {  	s1 =	rddreg [dreg:$0x1]  }
0x3: {  	s2 =	rddreg [dreg:$0x2];
	s4 =	srdreg.scid  }
0x4: {  	s3 =	rddreg [dreg:$0x3];
	s11 =	stileid.u32;
	s7 =	simm.s32 $0x0  }
0x5: {  	s28 =	simm.s32 $0x1;
	s29 =	simm.s32 $0x1000;
	s30 =	simm.s32 $0x3000  }
0x6: {  	s31 =	simm.s32 $0x0;
	s4 =	sand.u32 $0x1, s4;
	s6 =	smul.u32 $0x13C00, s11  }
0x7: {  	[smem:$0x7FF] =	sst s7;
	s23 =	smul.u32 $0x4EC00, s11;
	s20 =	sadd.s32 $0xC00, s2  }
0x8: {  	s13 =	sshll.u32 s11, $0xB;
	s5 =	smul.u32 $0x13C000, s4;
	_ =	strace $0x80000047  }
0x9: {  	s24 =	ssub.s32 $0x2, s4;
	s4 =	sshll.u32 s4, $0xF;
	s7 =	sshrl.u32 s23, $0x2  }
0xa: {  	s9 =	sshrl.u32 s24, $0x1;
	s4 =	sor.u32 s13, s4;
	s23 =	simm.s32 $0x4000  }
0xb: {  	s5 =	sadd.s32 s6, s5;
	s22 =	ssub.s32 s24, s9;
	s13 =	sadd.s32 s1, s4  }
0xc: {  	s14 =	sadd.s32 s20, s4;
	s16 =	sor.u32 $0x200, s4;
	s18 =	sor.u32 $0x400, s4  }
0xd: {  	s4 =	sor.u32 $0x600, s4;
	s24 =	simm.s32 $0x2;
	s8 =	sshrl.u32 s5, $0x3  }
0xe: {  	s5 =	sadd.s32 s7, s3;
	s15 =	sadd.s32 s1, s16;
	s16 =	sadd.s32 s20, s16  }
0xf: {  	s17 =	sadd.s32 s1, s18;
	s18 =	sadd.s32 s20, s18;
	s19 =	sadd.s32 s1, s4  }
0x10: {  	s20 =	sadd.s32 s20, s4;
	s22 =	smax.u32 s22, $0x1;
	s2 =	sadd.s32 s8, s2  }
0x11: {  	s25 =	sadd.s32 $0x2800, s5;
	s26 =	sadd.s32 $0x5000, s5;
	s8 =	sadd.s32 $0x7800, s5  }
0x12: {  	s9 =	sadd.s32 $0xA000, s5;
	s10 =	sadd.s32 $0xC800, s5;
	[dreg:$0x5] =	wrdreg s25  }
0x13: {  	s11 =	sadd.s32 $0xF000, s5;
	s12 =	sadd.s32 $0x11800, s5;
	[dreg:$0x6] =	wrdreg s26  }
0x14: {  	v0 =	vimm.f32 $0.0e+00;
	s21 =	sadd.s32 $0x10C00, s2;
	s25 =	simm.s32 $0x2000;
	s26 =	simm.s32 $0x50  }
.LBB2_1:
0x15: {  	s2 =	simm.s32 $0x0  }
0x16: {  	s1 =	sand.u32 $0xFE00, s2  }
0x17: {  	s2 =	sand.u32 $0x70, s2;
	s4 =	sshrl.u32 s1, $0x2  }
0x18: {  	s1 =	simm.s32 $0x40;
	s4 =	sor.u32 s2, s4;
	s2 =	simm.s32 $0x0  }
.LBB2_2:
0x19: {  	p0 =	sne.s32 s1, $0x9FC0  }
0x1a: {  	[tilespmem:s4+$0x4000] =	vst v0;
	s2 =	sadd.s32 $0x10, s2;
	s4 =	smov.u32 s1;
	s1 =	sadd.s32 $0x40, s1  }
.Ltmp0:
0x1b: {  	(pc) =	sbr.rel @p0 .LBB2_2-.Ltmp0, $4  }
0x1c: {  	_ = 	snop  }
0x1d: {  	s4 =	sand.u32 $0xFE00, s4  }
0x1e: {  	s6 =	sand.u32 $0x70, s2;
	s4 =	sshrl.u32 s4, $0x2  }
0x1f: {  	s4 =	sor.u32 s6, s4  }
0x20: {  	[tilespmem:s4+$0x4000] =	vst v0  }
0x21: {  	[spmem:s5] =	stream.linear.scatter [tilespmem:s23], [sflag:$0x2], $0x2800, $0x38;
	[tilespmem:$0x1CB00] =	vst v63  }
0x22: {  	_ =	swait.ge [sflag:s24], $0x2800  }
0x23: {  	[sflag:s24] =	ssyncset.done $0x0  }
0x24: {  	s1 =	rddreg [dreg:$0x5];
	[sflag:s24] =	ssyncadd.s32 $0xFFFFD800  }
0x25: {  	[spmem:s1] =	stream.linear.scatter [tilespmem:s23], [sflag:$0x2], $0x2800, $0x38;
	[tilespmem:$0x1CB00] =	vst v63  }
0x26: {  	_ =	swait.ge [sflag:s24], $0x2800  }
0x27: {  	[sflag:s24] =	ssyncset.done $0x0  }
0x28: {  	s2 =	rddreg [dreg:$0x6];
	[sflag:s24] =	ssyncadd.s32 $0xFFFFD800  }
0x29: {  	[spmem:s2] =	stream.linear.scatter [tilespmem:s23], [sflag:$0x2], $0x2800, $0x38;
	[tilespmem:$0x1CB00] =	vst v63  }
0x2a: {  	_ =	swait.ge [sflag:s24], $0x2800  }
0x2b: {  	[sflag:s24] =	ssyncset.done $0x0  }
0x2c: {  	[sflag:s24] =	ssyncadd.s32 $0xFFFFD800  }
0x2d: {  	[spmem:s8] =	stream.linear.scatter [tilespmem:s23], [sflag:$0x2], $0x2800, $0x38;
	[tilespmem:$0x1CB00] =	vst v63  }
0x2e: {  	_ =	swait.ge [sflag:s24], $0x2800  }
0x2f: {  	[sflag:s24] =	ssyncset.done $0x0  }
0x30: {  	[sflag:s24] =	ssyncadd.s32 $0xFFFFD800  }
0x31: {  	[spmem:s9] =	stream.linear.scatter [tilespmem:s23], [sflag:$0x2], $0x2800, $0x38;
	[tilespmem:$0x1CB00] =	vst v63  }
0x32: {  	_ =	swait.ge [sflag:s24], $0x2800  }
0x33: {  	[sflag:s24] =	ssyncset.done $0x0  }
0x34: {  	[sflag:s24] =	ssyncadd.s32 $0xFFFFD800  }
0x35: {  	[spmem:s10] =	stream.linear.scatter [tilespmem:s23], [sflag:$0x2], $0x2800, $0x38;
	[tilespmem:$0x1CB00] =	vst v63  }
0x36: {  	_ =	swait.ge [sflag:s24], $0x2800  }
0x37: {  	[sflag:s24] =	ssyncset.done $0x0  }
0x38: {  	[sflag:s24] =	ssyncadd.s32 $0xFFFFD800  }
0x39: {  	[spmem:s11] =	stream.linear.scatter [tilespmem:s23], [sflag:$0x2], $0x2800, $0x38;
	[tilespmem:$0x1CB00] =	vst v63  }
0x3a: {  	_ =	swait.ge [sflag:s24], $0x2800  }
0x3b: {  	[sflag:s24] =	ssyncset.done $0x0  }
0x3c: {  	[sflag:s24] =	ssyncadd.s32 $0xFFFFD800  }
0x3d: {  	[spmem:s12] =	stream.linear.scatter [tilespmem:s23], [sflag:$0x2], $0x2300, $0x38;
	[tilespmem:$0x1CB00] =	vst v63  }
0x3e: {  	_ =	swait.ge [sflag:s24], $0x2300  }
0x3f: {  	[sflag:s24] =	ssyncset.done $0x0  }
0x40: {  	[sflag:s24] =	ssyncadd.s32 $0xFFFFDD00  }
0x41: {  	s4 =	simm.s32 $0x0;
	[bflag:$0x0] =	sbarrier.arrive $0xFFFF  }
0x42: {  	[tilespmem:s4], [sflag:$0x2] =	stream.linear.gather [hbm4b:s13+s4], $0x1000, $0x38;
	[tilespmem:$0x1CB00] =	vst v63  }
0x43: {  	_ =	swait.ge [sflag:s24], $0x1000  }
0x44: {  	[sflag:s24] =	ssyncset.done $0x0  }
0x45: {  	[sflag:s24] =	ssyncadd.s32 $0xFFFFF000  }
0x46: {  	[tilespmem:s25], [sflag:$0x2] =	stream.linear.gather [hbm4b:s14+s4], $0x1000, $0x38;
	[tilespmem:$0x1CB00] =	vst v63  }
0x47: {  	_ =	swait.ge [sflag:s24], $0x1000  }
0x48: {  	[sflag:s24] =	ssyncset.done $0x0  }
0x49: {  	s6 =	simm.s32 $0x0;
	[sflag:s24] =	ssyncadd.s32 $0xFFFFF000  }
0x4a: {  	[tilespmem:s23], [sflag:$0x1] =	stream.indirect.gather [hbm4b:s0+s26], $0x80, s6, s26, $0xb8;
	[tilespmem:$0x1CB00] =	vst v63  }
0x4b: {  	_ =	swait.ge [sflag:s28], $0x2800  }
0x4c: {  	[sflag:s28] =	ssyncset.done $0x0  }
0x4d: {  	s7 =	simm.s32 $0x2000;
	[sflag:s28] =	ssyncadd.s32 $0xFFFFD800  }
0x4e: {  	[spmem:s3] =	stream.indirect.scatter.add.f32 [tilespmem:s23], [sflag:$0x2], $0x80, s7, s26, $0xb8;
	[tilespmem:$0x1CB00] =	vst v63  }
0x4f: {  	_ =	swait.ge [sflag:s24], $0x2800  }
0x50: {  	s1 =	simm.s32 $0x200;
	s2 =	simm.s32 $0x400;
	[sflag:s24] =	ssyncset.done $0x0  }
.LBB2_4:
0x51: {  	s4 =	sshra.s32 s1, $0x2  }
0x52: {  	[sflag:s24] =	ssyncadd.s32 $0xFFFFD800;
	s1 =	smov.u32 s2;
	s6 =	sadd.s32 $0x200, s2  }
0x53: {  	[tilespmem:s23], [sflag:$0x1] =	stream.indirect.gather [hbm4b:s0+s26], $0x80, s4, s26, $0xb8;
	[tilespmem:$0x1CB00] =	vst v63  }
0x54: {  	p0 =	sne.s32 s2, $0x3E00;
	_ =	swait.ge [sflag:s28], $0x2800  }
.Ltmp1:
0x55: {  	[sflag:s28] =	ssyncset.done $0x0;
	(pc) =	sbr.rel @p0 .LBB2_4-.Ltmp1, $4  }
0x56: {  	s2 =	sadd.s32 $0x2000, s4;
	[sflag:s28] =	ssyncadd.s32 $0xFFFFD800  }
0x57: {  	[spmem:s3] =	stream.indirect.scatter.add.f32 [tilespmem:s23], [sflag:$0x2], $0x80, s2, s26, $0xb8;
	[tilespmem:$0x1CB00] =	vst v63  }
0x58: {  	_ =	swait.ge [sflag:s24], $0x2800  }
0x59: {  	s2 =	smov.u32 s6;
	[sflag:s24] =	ssyncset.done $0x0  }
0x5a: {  	s1 =	sshra.s32 s1, $0x2;
	[sflag:s24] =	ssyncadd.s32 $0xFFFFD800  }
0x5b: {  	[tilespmem:s23], [sflag:$0x1] =	stream.indirect.gather [hbm4b:s0+s26], $0x80, s1, s26, $0xb8;
	[tilespmem:$0x1CB00] =	vst v63  }
0x5c: {  	_ =	swait.ge [sflag:s28], $0x2800  }
0x5d: {  	[sflag:s28] =	ssyncset.done $0x0  }
0x5e: {  	s1 =	sadd.s32 $0x2000, s1;
	[sflag:s28] =	ssyncadd.s32 $0xFFFFD800  }
0x5f: {  	[spmem:s3] =	stream.indirect.scatter.add.f32 [tilespmem:s23], [sflag:$0x2], $0x80, s1, s26, $0xb8;
	[tilespmem:$0x1CB00] =	vst v63  }
0x60: {  	_ =	swait.ge [sflag:s24], $0x2800  }
0x61: {  	[sflag:s24] =	ssyncset.done $0x0  }
0x62: {  	s4 =	simm.s32 $0x0;
	[sflag:s24] =	ssyncadd.s32 $0xFFFFD800  }
0x63: {  	[tilespmem:s29], [sflag:$0x2] =	stream.linear.gather [hbm4b:s15+s4], $0x1000, $0x38;
	[tilespmem:$0x1CB00] =	vst v63  }
0x64: {  	_ =	swait.ge [sflag:s24], $0x1000  }
0x65: {  	[sflag:s24] =	ssyncset.done $0x0  }
0x66: {  	[sflag:s24] =	ssyncadd.s32 $0xFFFFF000  }
0x67: {  	[tilespmem:s30], [sflag:$0x2] =	stream.linear.gather [hbm4b:s16+s4], $0x1000, $0x38;
	[tilespmem:$0x1CB00] =	vst v63  }
0x68: {  	_ =	swait.ge [sflag:s24], $0x1000  }
0x69: {  	[sflag:s24] =	ssyncset.done $0x0  }
0x6a: {  	s6 =	simm.s32 $0x1000;
	[sflag:s24] =	ssyncadd.s32 $0xFFFFF000  }
0x6b: {  	[tilespmem:s23], [sflag:$0x1] =	stream.indirect.gather [hbm4b:s0+s26], $0x80, s6, s26, $0xb8;
	[tilespmem:$0x1CB00] =	vst v63  }
0x6c: {  	_ =	swait.ge [sflag:s28], $0x2800  }
0x6d: {  	[sflag:s28] =	ssyncset.done $0x0  }
0x6e: {  	s7 =	simm.s32 $0x3000;
	[sflag:s28] =	ssyncadd.s32 $0xFFFFD800  }
0x6f: {  	[spmem:s3] =	stream.indirect.scatter.add.f32 [tilespmem:s23], [sflag:$0x2], $0x80, s7, s26, $0xb8;
	[tilespmem:$0x1CB00] =	vst v63  }
0x70: {  	_ =	swait.ge [sflag:s24], $0x2800  }
0x71: {  	s2 =	simm.s32 $0x400;
	s1 =	simm.s32 $0x80;
	[sflag:s24] =	ssyncset.done $0x0  }
.LBB2_6:
0x72: {  	s4 =	sadd.s32 $0x1000, s1  }
0x73: {  	[sflag:s24] =	ssyncadd.s32 $0xFFFFD800;
	s6 =	smov.u32 s2;
	s7 =	sadd.s32 $0x200, s2  }
0x74: {  	[tilespmem:s23], [sflag:$0x1] =	stream.indirect.gather [hbm4b:s0+s26], $0x80, s4, s26, $0xb8;
	[tilespmem:$0x1CB00] =	vst v63  }
0x75: {  	p0 =	sne.s32 s2, $0x3E00;
	_ =	swait.ge [sflag:s28], $0x2800  }
.Ltmp2:
0x76: {  	[sflag:s28] =	ssyncset.done $0x0;
	(pc) =	sbr.rel @p0 .LBB2_6-.Ltmp2, $4  }
0x77: {  	s1 =	sadd.s32 $0x3000, s1;
	[sflag:s28] =	ssyncadd.s32 $0xFFFFD800  }
0x78: {  	[spmem:s3] =	stream.indirect.scatter.add.f32 [tilespmem:s23], [sflag:$0x2], $0x80, s1, s26, $0xb8;
	[tilespmem:$0x1CB00] =	vst v63  }
0x79: {  	_ =	swait.ge [sflag:s24], $0x2800  }
0x7a: {  	s2 =	smov.u32 s7;
	s1 =	sshra.s32 s6, $0x2;
	[sflag:s24] =	ssyncset.done $0x0  }
0x7b: {  	s2 =	sadd.s32 $0x1000, s1;
	[sflag:s24] =	ssyncadd.s32 $0xFFFFD800  }
0x7c: {  	[tilespmem:s23], [sflag:$0x1] =	stream.indirect.gather [hbm4b:s0+s26], $0x80, s2, s26, $0xb8;
	[tilespmem:$0x1CB00] =	vst v63  }
0x7d: {  	_ =	swait.ge [sflag:s28], $0x2800  }
0x7e: {  	[sflag:s28] =	ssyncset.done $0x0  }
0x7f: {  	s2 =	sadd.s32 $0x3000, s1;
	[sflag:s28] =	ssyncadd.s32 $0xFFFFD800  }
0x80: {  	[spmem:s3] =	stream.indirect.scatter.add.f32 [tilespmem:s23], [sflag:$0x2], $0x80, s2, s26, $0xb8;
	[tilespmem:$0x1CB00] =	vst v63  }
0x81: {  	_ =	swait.ge [sflag:s24], $0x2800  }
0x82: {  	[sflag:s24] =	ssyncset.done $0x0  }
0x83: {  	s4 =	simm.s32 $0x0;
	[sflag:s24] =	ssyncadd.s32 $0xFFFFD800  }
0x84: {  	[tilespmem:s4], [sflag:$0x2] =	stream.linear.gather [hbm4b:s17+s4], $0x1000, $0x38;
	[tilespmem:$0x1CB00] =	vst v63  }
0x85: {  	_ =	swait.ge [sflag:s24], $0x1000  }
0x86: {  	[sflag:s24] =	ssyncset.done $0x0  }
0x87: {  	[sflag:s24] =	ssyncadd.s32 $0xFFFFF000  }
0x88: {  	[tilespmem:s25], [sflag:$0x2] =	stream.linear.gather [hbm4b:s18+s4], $0x1000, $0x38;
	[tilespmem:$0x1CB00] =	vst v63  }
0x89: {  	_ =	swait.ge [sflag:s24], $0x1000  }
0x8a: {  	[sflag:s24] =	ssyncset.done $0x0  }
0x8b: {  	s6 =	simm.s32 $0x0;
	[sflag:s24] =	ssyncadd.s32 $0xFFFFF000  }
0x8c: {  	[tilespmem:s23], [sflag:$0x1] =	stream.indirect.gather [hbm4b:s0+s26], $0x80, s6, s26, $0xb8;
	[tilespmem:$0x1CB00] =	vst v63  }
0x8d: {  	_ =	swait.ge [sflag:s28], $0x2800  }
0x8e: {  	[sflag:s28] =	ssyncset.done $0x0  }
0x8f: {  	s7 =	simm.s32 $0x2000;
	[sflag:s28] =	ssyncadd.s32 $0xFFFFD800  }
0x90: {  	[spmem:s3] =	stream.indirect.scatter.add.f32 [tilespmem:s23], [sflag:$0x2], $0x80, s7, s26, $0xb8;
	[tilespmem:$0x1CB00] =	vst v63  }
0x91: {  	_ =	swait.ge [sflag:s24], $0x2800  }
0x92: {  	s1 =	simm.s32 $0x200;
	s2 =	simm.s32 $0x400;
	[sflag:s24] =	ssyncset.done $0x0  }
.LBB2_8:
0x93: {  	s4 =	sshra.s32 s1, $0x2  }
0x94: {  	[sflag:s24] =	ssyncadd.s32 $0xFFFFD800;
	s1 =	smov.u32 s2;
	s6 =	sadd.s32 $0x200, s2  }
0x95: {  	[tilespmem:s23], [sflag:$0x1] =	stream.indirect.gather [hbm4b:s0+s26], $0x80, s4, s26, $0xb8;
	[tilespmem:$0x1CB00] =	vst v63  }
0x96: {  	p0 =	sne.s32 s2, $0x3E00;
	_ =	swait.ge [sflag:s28], $0x2800  }
.Ltmp3:
0x97: {  	[sflag:s28] =	ssyncset.done $0x0;
	(pc) =	sbr.rel @p0 .LBB2_8-.Ltmp3, $4  }
0x98: {  	s2 =	sadd.s32 $0x2000, s4;
	[sflag:s28] =	ssyncadd.s32 $0xFFFFD800  }
0x99: {  	[spmem:s3] =	stream.indirect.scatter.add.f32 [tilespmem:s23], [sflag:$0x2], $0x80, s2, s26, $0xb8;
	[tilespmem:$0x1CB00] =	vst v63  }
0x9a: {  	_ =	swait.ge [sflag:s24], $0x2800  }
0x9b: {  	s2 =	smov.u32 s6;
	[sflag:s24] =	ssyncset.done $0x0  }
0x9c: {  	s1 =	sshra.s32 s1, $0x2;
	[sflag:s24] =	ssyncadd.s32 $0xFFFFD800  }
0x9d: {  	[tilespmem:s23], [sflag:$0x1] =	stream.indirect.gather [hbm4b:s0+s26], $0x80, s1, s26, $0xb8;
	[tilespmem:$0x1CB00] =	vst v63  }
0x9e: {  	_ =	swait.ge [sflag:s28], $0x2800  }
0x9f: {  	[sflag:s28] =	ssyncset.done $0x0  }
0xa0: {  	s1 =	sadd.s32 $0x2000, s1;
	[sflag:s28] =	ssyncadd.s32 $0xFFFFD800  }
0xa1: {  	[spmem:s3] =	stream.indirect.scatter.add.f32 [tilespmem:s23], [sflag:$0x2], $0x80, s1, s26, $0xb8;
	[tilespmem:$0x1CB00] =	vst v63  }
0xa2: {  	_ =	swait.ge [sflag:s24], $0x2800  }
0xa3: {  	[sflag:s24] =	ssyncset.done $0x0  }
0xa4: {  	s4 =	simm.s32 $0x0;
	[sflag:s24] =	ssyncadd.s32 $0xFFFFD800  }
0xa5: {  	[tilespmem:s29], [sflag:$0x2] =	stream.linear.gather [hbm4b:s19+s4], $0x1000, $0x38;
	[tilespmem:$0x1CB00] =	vst v63  }
0xa6: {  	_ =	swait.ge [sflag:s24], $0x1000  }
0xa7: {  	[sflag:s24] =	ssyncset.done $0x0  }
0xa8: {  	[sflag:s24] =	ssyncadd.s32 $0xFFFFF000  }
0xa9: {  	[tilespmem:s30], [sflag:$0x2] =	stream.linear.gather [hbm4b:s20+s4], $0x1000, $0x38;
	[tilespmem:$0x1CB00] =	vst v63  }
0xaa: {  	_ =	swait.ge [sflag:s24], $0x1000  }
0xab: {  	[sflag:s24] =	ssyncset.done $0x0  }
0xac: {  	s6 =	simm.s32 $0x1000;
	[sflag:s24] =	ssyncadd.s32 $0xFFFFF000  }
0xad: {  	[tilespmem:s23], [sflag:$0x1] =	stream.indirect.gather [hbm4b:s0+s26], $0x80, s6, s26, $0xb8;
	[tilespmem:$0x1CB00] =	vst v63  }
0xae: {  	_ =	swait.ge [sflag:s28], $0x2800  }
0xaf: {  	[sflag:s28] =	ssyncset.done $0x0  }
0xb0: {  	s7 =	simm.s32 $0x3000;
	[sflag:s28] =	ssyncadd.s32 $0xFFFFD800  }
0xb1: {  	[spmem:s3] =	stream.indirect.scatter.add.f32 [tilespmem:s23], [sflag:$0x2], $0x80, s7, s26, $0xb8;
	[tilespmem:$0x1CB00] =	vst v63  }
0xb2: {  	_ =	swait.ge [sflag:s24], $0x2800  }
0xb3: {  	s2 =	simm.s32 $0x400;
	s1 =	simm.s32 $0x80;
	[sflag:s24] =	ssyncset.done $0x0  }
.LBB2_10:
0xb4: {  	s4 =	sadd.s32 $0x1000, s1  }
0xb5: {  	[sflag:s24] =	ssyncadd.s32 $0xFFFFD800;
	s6 =	smov.u32 s2;
	s7 =	sadd.s32 $0x200, s2  }
0xb6: {  	[tilespmem:s23], [sflag:$0x1] =	stream.indirect.gather [hbm4b:s0+s26], $0x80, s4, s26, $0xb8;
	[tilespmem:$0x1CB00] =	vst v63  }
0xb7: {  	p0 =	sne.s32 s2, $0x3E00;
	_ =	swait.ge [sflag:s28], $0x2800  }
.Ltmp4:
0xb8: {  	[sflag:s28] =	ssyncset.done $0x0;
	(pc) =	sbr.rel @p0 .LBB2_10-.Ltmp4, $4  }
0xb9: {  	s1 =	sadd.s32 $0x3000, s1;
	[sflag:s28] =	ssyncadd.s32 $0xFFFFD800  }
0xba: {  	[spmem:s3] =	stream.indirect.scatter.add.f32 [tilespmem:s23], [sflag:$0x2], $0x80, s1, s26, $0xb8;
	[tilespmem:$0x1CB00] =	vst v63  }
0xbb: {  	_ =	swait.ge [sflag:s24], $0x2800  }
0xbc: {  	s2 =	smov.u32 s7;
	s1 =	sshra.s32 s6, $0x2;
	[sflag:s24] =	ssyncset.done $0x0  }
0xbd: {  	s2 =	sadd.s32 $0x1000, s1;
	[sflag:s24] =	ssyncadd.s32 $0xFFFFD800  }
0xbe: {  	[tilespmem:s23], [sflag:$0x1] =	stream.indirect.gather [hbm4b:s0+s26], $0x80, s2, s26, $0xb8;
	[tilespmem:$0x1CB00] =	vst v63  }
0xbf: {  	_ =	swait.ge [sflag:s28], $0x2800  }
0xc0: {  	[sflag:s28] =	ssyncset.done $0x0  }
0xc1: {  	s4 =	sadd.s32 $0x3000, s1;
	[sflag:s28] =	ssyncadd.s32 $0xFFFFD800  }
0xc2: {  	[spmem:s3] =	stream.indirect.scatter.add.f32 [tilespmem:s23], [sflag:$0x2], $0x80, s4, s26, $0xb8;
	[tilespmem:$0x1CB00] =	vst v63  }
0xc3: {  	s6 =	stileid.u32;
	_ =	swait.ge [sflag:s24], $0x2800  }
0xc4: {  	s7 =	sshrl.u32 s5, $0x3;
	s31 =	sadd.s32 $0x1, s31;
	[sflag:s24] =	ssyncset.done $0x0  }
0xc5: {  	s1 =	sshll.u32 s6, $0x6;
	p0 =	sne.s32 s31, s22;
	[sflag:s24] =	ssyncadd.s32 $0xFFFFD800  }
.Ltmp5:
0xc6: {  	s1 =	sor.u32 $0x1C02, s1;
	[bflag:$0x0] =	sbarrier.arrive $0xFFFF;
	(pc) =	sbr.rel @p0 .LBB2_1-.Ltmp5, $4  }
0xc7: {  	[hbm:s21], [sflag:s1] =	dma.local [spmem:s7], $0x2760  }
0xc8: {  	_ =	swait.ge [sflag:s24], $0x2760  }
0xc9: {  	[sflag:s24] =	ssyncset.done $0x0  }
0xca: {  	[sflag:s24] =	ssyncadd.s32 $0xFFFFD8A0  }
0xcb: {  	_ =	sfence.sel $0x180000  }
0xcc: {  	[bflag:$0x0] =	sbarrier.arrive $0xFFFF  }
0xcd: {  	_ =	strace $0x90000047  }
0xce: {  	s0 =	stileid.u32;
	[bflag:$0x2] =	sbarrier.arrive $0xFFFF  }
0xcf: {  	p0 =	sne.s32 s0, $0x0;
	s0 =	rddreg [dreg:$0x4]  }
0xd0: {  	s0 =	sadd.s32 @!p0 $0x100000, s0  }
0xd1: {  	[sflag:s0] =	ssyncadd.tile.s32 @!p0 $0x1;
	_ =	shalt  }
.Lfunc_end2:
_tile_overlayer_lowered:
.L_overlay_start_2:
0xd2: {  	(tag) =	ssettag $0x2  }
0xd3: {  	s0 =	rddreg [dreg:$0x0];
	s2 =	stileid.u32  }
0xd4: {  	s1 =	rddreg [dreg:$0x1];
	p0 =	sne.s32 s2, $0x0  }
0xd5: {  	s3 =	rddreg [dreg:$0x2];
	[bflag:$0x3] =	sbarrier.arrive $0xFFFF;
	s2 =	simm.s32 @!p0 $0x1C02  }
0xd6: {  	[timem:s3], [sflag:s2] =	dma.local @!p0 [hbm:s0], s1  }
0xd7: {  	s0 =	simm.s32 @!p0 $0x2  }
0xd8: {  	_ =	swait.ge @!p0 [sflag:s0], s1  }
0xd9: {  	s1 =	ssub.s32 @!p0 $0x0, s1;
	[sflag:s0] =	ssyncset.done @!p0 $0x0  }
0xda: {  	[sflag:s0] =	ssyncadd.s32 @!p0 s1  }
0xdb: {  	[bflag:$0x3] =	sbarrier.arrive $0xFFFF  }
0xdc: {  	_ =	shalt  }

</sc_bundles>
